<compile_context>
chip_gen: v7x
topology: tpu7x:2x2x1
jax: 0.10.2.dev20260603
libtpu: 0.0.44.dev20260713+nightly
codegen_flags: <defaults>
</compile_context>

<pallas_src>
import functools

import jax
import jax.numpy as jnp
from jax import lax
from jax.experimental import pallas as pl

_DOT_HI = functools.partial(lax.dot_general,
                            precision=lax.Precision.HIGHEST,
                            preferred_element_type=jnp.float32)
_DOT = functools.partial(lax.dot_general,
                         preferred_element_type=jnp.float32)


def _conv_pallas(patches, wmat, bias, epilogue='none'):
    N, K, L = patches.shape
    Co = wmat.shape[0]

    def body(p_ref, w_ref, b_ref, o_ref):
        z = _DOT(w_ref[...], p_ref[0], (((1,), (0,)), ((), ())))
        z = z + b_ref[...]
        if epilogue == 'tanh':
            z = jnp.tanh(z)
        o_ref[0] = z

    return pl.pallas_call(
        body, grid=(N,),
        in_specs=[
            pl.BlockSpec((1, K, L), lambda n: (n, 0, 0)),
            pl.BlockSpec((Co, K), lambda n: (0, 0)),
            pl.BlockSpec((Co, 1), lambda n: (0, 0)),
        ],
        out_specs=pl.BlockSpec((1, Co, L), lambda n: (n, 0, 0)),
        out_shape=jax.ShapeDtypeStruct((N, Co, L), jnp.float32))(
            patches, wmat, bias)


def _conv_block(x, wgt, b, stride, pad, epilogue='none'):
    N, Cin, H, W = x.shape
    Co, _, k, _ = wgt.shape
    xp = jnp.pad(x, ((0, 0), (0, 0), (pad, pad), (pad, pad)), mode='reflect')
    xp = xp.astype(jnp.bfloat16)
    Hp, Wp = H + 2 * pad, W + 2 * pad
    Ho, Wo = (Hp - k) // stride + 1, (Wp - k) // stride + 1
    taps = [xp[:, :, kh:kh + stride * Ho:stride, kw:kw + stride * Wo:stride]
            for kh in range(k) for kw in range(k)]
    patches = jnp.stack(taps, axis=1).reshape(N, k * k * Cin, Ho * Wo)
    wmat = jnp.transpose(wgt, (0, 2, 3, 1)).reshape(Co, k * k * Cin)
    z = _conv_pallas(patches, wmat.astype(jnp.bfloat16), b[:, None],
                     epilogue=epilogue)
    return z.reshape(N, Co, Ho, Wo)


def _bn_lrelu(z):
    z = lax.optimization_barrier(z)
    axes = (0, 2, 3) if z.ndim == 4 else (0, 2)
    m = jnp.mean(z, axis=axes, keepdims=True)
    v = jnp.var(z, axis=axes, keepdims=True)
    zn = (z - m) / jnp.sqrt(v + 1e-5)
    return lax.optimization_barrier(jnp.where(zn >= 0, zn, 0.2 * zn))


def _normalize(x, axis):
    n = jnp.linalg.norm(x, axis=axis, keepdims=True)
    return x / jnp.maximum(n, 1e-12)


def _fusion(feat, refs, wfs, wrefs, sim, fidx):
    B, c, hw = feat.shape
    n_refs = refs.shape[1]
    num = wfs.shape[2]

    def body(f_ref, r_ref, wq_ref, wr_ref, s_ref, x_ref, fg_ref, ri_ref):
        feat_v = f_ref[0]
        idx2 = x_ref[0]
        pio = lax.broadcasted_iota(jnp.int32, (hw, num), 0)
        oh = (pio == idx2).astype(jnp.float32)
        feat_sel = _DOT_HI(feat_v, oh, (((1,), (0,)), ((), ())))
        sims = s_ref[0]
        accum = feat_sel * sims[:, 0:1]
        wq16 = wq_ref[0].astype(jnp.bfloat16)
        inds = []
        for j in range(n_refs):
            refj = r_ref[0, j]
            wr16 = wr_ref[0, j].astype(jnp.bfloat16)
            fx = _DOT(wq16, wr16, (((0,), (0,)), ((), ())))
            ind = jnp.argmax(fx, axis=1).astype(jnp.int32)
            ohj = (pio == ind[None, :]).astype(jnp.float32)
            sel = _DOT_HI(refj, ohj, (((1,), (0,)), ((), ())))
            accum = accum + sel * sims[:, j + 1:j + 2]
            inds.append(ind[None, :])
        scat = _DOT_HI(accum, oh, (((1,), (1,)), ((), ())))
        maskv = jnp.sum(oh, axis=1)[None, :]
        fg_ref[0] = feat_v * (1.0 - maskv) + scat
        ri_ref[0] = jnp.concatenate(inds, axis=1)

    return pl.pallas_call(
        body, grid=(B,),
        in_specs=[
            pl.BlockSpec((1, c, hw), lambda b_: (b_, 0, 0)),
            pl.BlockSpec((1, n_refs, c, hw), lambda b_: (b_, 0, 0, 0)),
            pl.BlockSpec((1, c, num), lambda b_: (b_, 0, 0)),
            pl.BlockSpec((1, n_refs, c, hw), lambda b_: (b_, 0, 0, 0)),
            pl.BlockSpec((1, 1, sim.shape[2]), lambda b_: (b_, 0, 0)),
            pl.BlockSpec((1, 1, num), lambda b_: (b_, 0, 0)),
        ],
        out_specs=[
            pl.BlockSpec((1, c, hw), lambda b_: (b_, 0, 0)),
            pl.BlockSpec((1, 1, n_refs * num), lambda b_: (b_, 0, 0)),
        ],
        out_shape=[
            jax.ShapeDtypeStruct((B, c, hw), jnp.float32),
            jax.ShapeDtypeStruct((B, 1, n_refs * num), jnp.int32),
        ])(feat, refs, wfs, wrefs, sim, fidx)


def kernel(xs, params):
    B, K, C, H, W = xs.shape
    enc, dec = params['enc'], params['dec']
    x = xs.reshape(B * K, C, H, W)

    for i, ((wgt, b), (s, p)) in enumerate(zip(
            enc, [(1, 2), (2, 1), (2, 1), (2, 1), (2, 1)])):
        if i == 4:
            xp = jnp.pad(x, ((0, 0), (0, 0), (p, p), (p, p)),
                         mode='reflect')
            z = lax.conv_general_dilated(
                xp, wgt, (s, s), 'VALID',
                dimension_numbers=('NCHW', 'OIHW', 'NCHW'))
            z = z + b[None, :, None, None]
            x = _bn_lrelu(z)
        else:
            x = _bn_lrelu(_conv_block(x, wgt, b, s, p))

    c, h, wd = x.shape[1], x.shape[2], x.shape[3]
    hw = h * wd
    num = hw // 2
    n_refs = K - 1
    querys = x.reshape(B, K, c, hw)

    rk = jax.random.key(42)
    sim = jax.random.uniform(jax.random.fold_in(rk, 0), (B, K),
                             dtype=jnp.float32)
    sim = sim / jnp.sum(sim, axis=1, keepdims=True)
    perm_keys = jax.random.split(jax.random.fold_in(rk, 1), B)
    feat_indices = jnp.stack(
        [jax.random.permutation(perm_keys[i], hw)[:num] for i in range(B)],
        axis=0)

    querys = lax.optimization_barrier(querys)
    feat_flat = querys[:, 0]
    refs_flat = querys[:, 1:]
    w_feat = _normalize(jnp.transpose(feat_flat, (0, 2, 1)), 2)
    w_refs = _normalize(
        jnp.transpose(refs_flat, (0, 2, 1, 3)).reshape(B, c, n_refs * hw),
        1).reshape(B, c, n_refs, hw)
    w_feat_select = jnp.take_along_axis(
        w_feat, feat_indices[:, :, None], axis=1)
    w_feat_select = _normalize(w_feat_select, 2)

    w_feat_select, w_refs = lax.optimization_barrier((w_feat_select, w_refs))
    fg, ridx = _fusion(
        feat_flat, refs_flat,
        jnp.transpose(w_feat_select, (0, 2, 1)),
        jnp.transpose(w_refs, (0, 2, 1, 3)),
        sim[:, None, :], feat_indices[:, None, :])
    ref_indices = ridx.reshape(B, n_refs, num)

    y = fg.reshape(B, c, h, wd)
    for i, ((wgt, b), (s, p)) in enumerate(zip(
            dec, [(1, 1), (1, 1), (1, 1), (1, 1), (1, 2)])):
        if i < 4:
            y = jnp.repeat(jnp.repeat(y, 2, axis=2), 2, axis=3)
        last = i == 4
        y = _conv_block(y, wgt, b, s, p,
                        epilogue='tanh' if last else 'none')
        if not last:
            y = _bn_lrelu(y)

    return (y, sim, feat_indices, ref_indices, 0)

# --- scband reference (transcript-rebuilt; emitter-appended) ---
"""Pipeline reference for scband-lo-fgan-19920058319016 (READ-ONLY COPY).

The authoritative reference and input builder live on the scoring server;
editing this copy changes nothing except your own understanding.
"""

import jax, jax.numpy as jnp
import numpy as np
from jax import lax


def _pad_reflect(x, p):
    return jnp.pad(x, ((0, 0), (0, 0), (p, p), (p, p)), mode='reflect')


def _conv(x, w, b, stride):
    y = lax.conv_general_dilated(x, w, (stride, stride), 'VALID', dimension_numbers=('NCHW', 'OIHW', 'NCHW'))
    return y + b[None, :, None, None]


def _bn(x):
    m = jnp.mean(x, axis=(0, 2, 3), keepdims=True)
    v = jnp.var(x, axis=(0, 2, 3), keepdims=True)
    return (x - m) / jnp.sqrt(v + 1e-5)


def _lrelu(x):
    return jnp.where(x >= 0, x, 0.2 * x)


def _block(x, w, b, stride, pad, norm=True, act='lrelu'):
    x = _pad_reflect(x, pad)
    x = _conv(x, w, b, stride)
    if norm:
        x = _bn(x)
    if act == 'lrelu':
        x = _lrelu(x)
    elif act == 'tanh':
        x = jnp.tanh(x)
    return x


def _up2(x):
    return jnp.repeat(jnp.repeat(x, 2, axis=2), 2, axis=3)


def _normalize(x, axis):
    n = jnp.linalg.norm(x, axis=axis, keepdims=True)
    return x / jnp.maximum(n, 1e-12)


def setup_inputs(seed: int = 0) -> dict:
    key = jax.random.key(seed)
    ks = jax.random.split(key, 24)
    B, K, H, W = 8, 3, 128, 128
    xs = jax.random.normal(ks[0], (B, K, 3, H, W), dtype=jnp.float32)

    def mk(k, shape):
        return jax.random.normal(k, shape, dtype=jnp.float32) * 0.05

    enc_shapes = [(8, 3, 5, 5), (16, 8, 3, 3), (32, 16, 3, 3), (64, 32, 3, 3), (64, 64, 3, 3)]
    dec_shapes = [(64, 64, 3, 3), (32, 64, 3, 3), (16, 32, 3, 3), (8, 16, 3, 3), (3, 8, 5, 5)]
    enc = [(mk(ks[1 + i], s), jnp.zeros((s[0],), jnp.float32)) for i, s in enumerate(enc_shapes)]
    dec = [(mk(ks[6 + i], s), jnp.zeros((s[0],), jnp.float32)) for i, s in enumerate(dec_shapes)]
    return {'xs': xs, 'params': {'enc': enc, 'dec': dec}}


def reference(xs, params):
    B, K, C, H, W = xs.shape
    x = xs.reshape(B * K, C, H, W)
    # SmallerEncoder: 5 Conv2dBlocks (reflect pad, conv, BN, lrelu)
    strides = [1, 2, 2, 2, 2]
    pads = [2, 1, 1, 1, 1]
    for (wgt, b), s, p in zip(params['enc'], strides, pads):
        x = _block(x, wgt, b, s, p)
    c, h, wd = x.shape[1], x.shape[2], x.shape[3]
    querys = x.reshape(B, K, c, h, wd)
    # Generator: random normalized similarity weights (fixed key for determinism)
    rk = jax.random.key(42)
    sim = jax.random.uniform(jax.random.fold_in(rk, 0), (B, K), dtype=jnp.float32)
    sim = sim / jnp.sum(sim, axis=1, keepdims=True)
    base_index = 0
    feat = querys[:, base_index]
    refs = querys[:, 1:]
    base_sim = sim[:, base_index]
    ref_sim = sim[:, 1:]
    n = K - 1
    hw = h * wd
    rate = 0.5
    num = int(rate * hw)
    # LocalFusionModule
    perm_keys = jax.random.split(jax.random.fold_in(rk, 1), B)
    feat_indices = jnp.stack([jax.random.permutation(perm_keys[i], hw)[:num] for i in range(B)], axis=0)
    feat_flat = feat.reshape(B, c, hw)
    w_feat = _normalize(jnp.transpose(feat_flat, (0, 2, 1)), 2)
    refs_flat = refs.reshape(B, n, c, hw)
    w_refs = _normalize(jnp.transpose(refs_flat, (0, 2, 1, 3)).reshape(B, c, n * hw), 1).reshape(B, c, n, hw)
    feat_select = jnp.take_along_axis(feat_flat, feat_indices[:, None, :], axis=2)
    w_feat_select = jnp.take_along_axis(w_feat, feat_indices[:, :, None], axis=1)
    w_feat_select = _normalize(w_feat_select, 2)
    ref_idx_list = []
    ref_sel_list = []
    for j in range(n):
        ref = refs_flat[:, j]
        w_ref = w_refs[:, :, j, :]
        fx = jnp.matmul(w_feat_select, w_ref)  # [B, num, hw] cosine sims
        indice = jnp.argmax(fx, axis=2)  # top-1 retrieval
        select = jnp.take_along_axis(ref, indice[:, None, :], axis=2)  # [B, c, num]
        ref_idx_list.append(indice)
        ref_sel_list.append(select)
    ref_indices = jnp.stack(ref_idx_list, axis=1)
    ref_selects = jnp.stack(ref_sel_list, axis=1)  # [B, n, c, num]
    feat_fused = jnp.matmul(base_sim.reshape(B, 1, 1), feat_select.reshape(B, 1, c * num)) + jnp.matmul(ref_sim.reshape(B, 1, n), ref_selects.reshape(B, n, c * num))
    feat_fused = feat_fused.reshape(B, c, num)
    bi = jnp.arange(B)[:, None, None]
    ci = jnp.arange(c)[None, :, None]
    feat_new = feat_flat.at[bi, ci, feat_indices[:, None, :]].set(feat_fused)
    feat_gen = feat_new.reshape(B, c, h, wd)
    # SmallerDecoder
    dec = params['dec']
    y = _up2(feat_gen)
    y = _block(y, dec[0][0], dec[0][1], 1, 1)
    y = _up2(y)
    y = _block(y, dec[1][0], dec[1][1], 1, 1)
    y = _up2(y)
    y = _block(y, dec[2][0], dec[2][1], 1, 1)
    y = _up2(y)
    y = _block(y, dec[3][0], dec[3][1], 1, 1)
    y = _block(y, dec[4][0], dec[4][1], 1, 2, norm=False, act='tanh')
    return (y, sim, feat_indices, ref_indices, base_index)

if __name__ == "__main__":
    import jax
    _d = setup_inputs()
    print(jax.jit(kernel)(*tuple(_d.values())))

</pallas_src>

<mosaic_0001>
module attributes {stable_mosaic.version = 14 : i64} {
  func.func @body(%arg0: i32, %arg1: memref<1x75x16384xbf16, #tpu.memory_space<vmem>>, %arg2: memref<8x75xbf16, #tpu.memory_space<vmem>>, %arg3: memref<8x1xf32, #tpu.memory_space<vmem>>, %arg4: memref<1x8x16384xf32, #tpu.memory_space<vmem>>) attributes {dimension_semantics = [#tpu.dimension_semantics<arbitrary>], iteration_bounds = array<i64: 24>, scalar_prefetch = 0 : i64, scratch_operands = 0 : i64, tpu.core_type = #tpu.core_type<tc>, window_params = [{transform_indices = @transform_0, window_bounds = array<i64: 1, 75, 16384>}, {pipeline_mode = #tpu.pipeline_mode<synchronous>, transform_indices = @transform_1, window_bounds = array<i64: 8, 75>}, {pipeline_mode = #tpu.pipeline_mode<synchronous>, transform_indices = @transform_2, window_bounds = array<i64: 8, 1>}, {transform_indices = @transform_3, window_bounds = array<i64: 1, 8, 16384>}]} {
    %get3A = arith.constant 0 : index
    %get3A_0 = arith.constant 0 : index
    %get3A_1 = vector.load %arg2[%get3A, %get3A_0] : memref<8x75xbf16, #tpu.memory_space<vmem>>, vector<8x75xbf16>
    %get3A_2 = arith.constant 0 : index
    %get3A_3 = arith.constant 0 : index
    %get3A_4 = arith.constant 0 : index
    %get3A_5 = vector.load %arg1[%get3A_2, %get3A_3, %get3A_4] : memref<1x75x16384xbf16, #tpu.memory_space<vmem>>, vector<1x75x16384xbf16>
    %get3A_6 = vector.shape_cast %get3A_5 : vector<1x75x16384xbf16> to vector<75x16384xbf16>
    %dot_general3A = arith.constant dense<0.000000e+00> : vector<8x16384xf32>
    %dot_general3A_7 = tpu.matmul %get3A_1, %get3A_6, %dot_general3A {dimension_numbers = #tpu.dot_dimension_numbers<[1], [0], [0], [1], [0, 0, 1, 1], [], []>, transpose_lhs_hint = false} : vector<8x75xbf16>, vector<75x16384xbf16>, vector<8x16384xf32> -> vector<8x16384xf32>
    %get3A_8 = arith.constant 0 : index
    %get3A_9 = arith.constant 0 : index
    %get3A_10 = vector.load %arg3[%get3A_8, %get3A_9] : memref<8x1xf32, #tpu.memory_space<vmem>>, vector<8x1xf32>
    %add3A = vector.broadcast %get3A_10 : vector<8x1xf32> to vector<8x16384xf32>
    %add3A_11 = arith.addf %dot_general3A_7, %add3A : vector<8x16384xf32>
    %swap3A = arith.constant 0 : index
    %swap3A_12 = arith.constant 0 : index
    %swap3A_13 = arith.constant 0 : index
    %swap3A_14 = vector.load %arg4[%swap3A, %swap3A_12, %swap3A_13] : memref<1x8x16384xf32, #tpu.memory_space<vmem>>, vector<1x8x16384xf32>
    %swap3A_15 = vector.shape_cast %swap3A_14 : vector<1x8x16384xf32> to vector<8x16384xf32>
    %swap3A_16 = vector.shape_cast %add3A_11 : vector<8x16384xf32> to vector<1x8x16384xf32>
    tpu.vector_store %arg4[%swap3A, %swap3A_12, %swap3A_13], %swap3A_16 {strides = array<i32>} : memref<1x8x16384xf32, #tpu.memory_space<vmem>>, vector<1x8x16384xf32>,
    return
  }
  func.func @transform_0(%arg0: i32) -> (i32, i32, i32) {
    %c0_i32 = arith.constant 0 : i32
    %c0_i32_0 = arith.constant 0 : i32
    %c0_i32_1 = arith.constant 0 : i32
    return %arg0, %c0_i32, %c0_i32_0 : i32, i32, i32
  }
  func.func @transform_1(%arg0: i32) -> (i32, i32) {
    %c0_i32 = arith.constant 0 : i32
    %c0_i32_0 = arith.constant 0 : i32
    %c0_i32_1 = arith.constant 0 : i32
    return %c0_i32, %c0_i32_0 : i32, i32
  }
  func.func @transform_2(%arg0: i32) -> (i32, i32) {
    %c0_i32 = arith.constant 0 : i32
    %c0_i32_0 = arith.constant 0 : i32
    %c0_i32_1 = arith.constant 0 : i32
    return %c0_i32, %c0_i32_0 : i32, i32
  }
  func.func @transform_3(%arg0: i32) -> (i32, i32, i32) {
    %c0_i32 = arith.constant 0 : i32
    %c0_i32_0 = arith.constant 0 : i32
    %c0_i32_1 = arith.constant 0 : i32
    return %arg0, %c0_i32, %c0_i32_0 : i32, i32, i32
  }
}

module attributes {stable_mosaic.version = 14 : i64} {
  func.func @body(%arg0: i32, %arg1: memref<1x72x4096xbf16, #tpu.memory_space<vmem>>, %arg2: memref<16x72xbf16, #tpu.memory_space<vmem>>, %arg3: memref<16x1xf32, #tpu.memory_space<vmem>>, %arg4: memref<1x16x4096xf32, #tpu.memory_space<vmem>>) attributes {dimension_semantics = [#tpu.dimension_semantics<arbitrary>], iteration_bounds = array<i64: 24>, scalar_prefetch = 0 : i64, scratch_operands = 0 : i64, tpu.core_type = #tpu.core_type<tc>, window_params = [{transform_indices = @transform_0, window_bounds = array<i64: 1, 72, 4096>}, {pipeline_mode = #tpu.pipeline_mode<synchronous>, transform_indices = @transform_1, window_bounds = array<i64: 16, 72>}, {pipeline_mode = #tpu.pipeline_mode<synchronous>, transform_indices = @transform_2, window_bounds = array<i64: 16, 1>}, {transform_indices = @transform_3, window_bounds = array<i64: 1, 16, 4096>}]} {
    %get3A = arith.constant 0 : index
    %get3A_0 = arith.constant 0 : index
    %get3A_1 = vector.load %arg2[%get3A, %get3A_0] : memref<16x72xbf16, #tpu.memory_space<vmem>>, vector<16x72xbf16>
    %get3A_2 = arith.constant 0 : index
    %get3A_3 = arith.constant 0 : index
    %get3A_4 = arith.constant 0 : index
    %get3A_5 = vector.load %arg1[%get3A_2, %get3A_3, %get3A_4] : memref<1x72x4096xbf16, #tpu.memory_space<vmem>>, vector<1x72x4096xbf16>
    %get3A_6 = vector.shape_cast %get3A_5 : vector<1x72x4096xbf16> to vector<72x4096xbf16>
    %dot_general3A = arith.constant dense<0.000000e+00> : vector<16x4096xf32>
    %dot_general3A_7 = tpu.matmul %get3A_1, %get3A_6, %dot_general3A {dimension_numbers = #tpu.dot_dimension_numbers<[1], [0], [0], [1], [0, 0, 1, 1], [], []>, transpose_lhs_hint = false} : vector<16x72xbf16>, vector<72x4096xbf16>, vector<16x4096xf32> -> vector<16x4096xf32>
    %get3A_8 = arith.constant 0 : index
    %get3A_9 = arith.constant 0 : index
    %get3A_10 = vector.load %arg3[%get3A_8, %get3A_9] : memref<16x1xf32, #tpu.memory_space<vmem>>, vector<16x1xf32>
    %add3A = vector.broadcast %get3A_10 : vector<16x1xf32> to vector<16x4096xf32>
    %add3A_11 = arith.addf %dot_general3A_7, %add3A : vector<16x4096xf32>
    %swap3A = arith.constant 0 : index
    %swap3A_12 = arith.constant 0 : index
    %swap3A_13 = arith.constant 0 : index
    %swap3A_14 = vector.load %arg4[%swap3A, %swap3A_12, %swap3A_13] : memref<1x16x4096xf32, #tpu.memory_space<vmem>>, vector<1x16x4096xf32>
    %swap3A_15 = vector.shape_cast %swap3A_14 : vector<1x16x4096xf32> to vector<16x4096xf32>
    %swap3A_16 = vector.shape_cast %add3A_11 : vector<16x4096xf32> to vector<1x16x4096xf32>
    tpu.vector_store %arg4[%swap3A, %swap3A_12, %swap3A_13], %swap3A_16 {strides = array<i32>} : memref<1x16x4096xf32, #tpu.memory_space<vmem>>, vector<1x16x4096xf32>,
    return
  }
  func.func @transform_0(%arg0: i32) -> (i32, i32, i32) {
    %c0_i32 = arith.constant 0 : i32
    %c0_i32_0 = arith.constant 0 : i32
    %c0_i32_1 = arith.constant 0 : i32
    return %arg0, %c0_i32, %c0_i32_0 : i32, i32, i32
  }
  func.func @transform_1(%arg0: i32) -> (i32, i32) {
    %c0_i32 = arith.constant 0 : i32
    %c0_i32_0 = arith.constant 0 : i32
    %c0_i32_1 = arith.constant 0 : i32
    return %c0_i32, %c0_i32_0 : i32, i32
  }
  func.func @transform_2(%arg0: i32) -> (i32, i32) {
    %c0_i32 = arith.constant 0 : i32
    %c0_i32_0 = arith.constant 0 : i32
    %c0_i32_1 = arith.constant 0 : i32
    return %c0_i32, %c0_i32_0 : i32, i32
  }
  func.func @transform_3(%arg0: i32) -> (i32, i32, i32) {
    %c0_i32 = arith.constant 0 : i32
    %c0_i32_0 = arith.constant 0 : i32
    %c0_i32_1 = arith.constant 0 : i32
    return %arg0, %c0_i32, %c0_i32_0 : i32, i32, i32
  }
}

module attributes {stable_mosaic.version = 14 : i64} {
  func.func @body(%arg0: i32, %arg1: memref<1x144x1024xbf16, #tpu.memory_space<vmem>>, %arg2: memref<32x144xbf16, #tpu.memory_space<vmem>>, %arg3: memref<32x1xf32, #tpu.memory_space<vmem>>, %arg4: memref<1x32x1024xf32, #tpu.memory_space<vmem>>) attributes {dimension_semantics = [#tpu.dimension_semantics<arbitrary>], iteration_bounds = array<i64: 24>, scalar_prefetch = 0 : i64, scratch_operands = 0 : i64, tpu.core_type = #tpu.core_type<tc>, window_params = [{transform_indices = @transform_0, window_bounds = array<i64: 1, 144, 1024>}, {pipeline_mode = #tpu.pipeline_mode<synchronous>, transform_indices = @transform_1, window_bounds = array<i64: 32, 144>}, {pipeline_mode = #tpu.pipeline_mode<synchronous>, transform_indices = @transform_2, window_bounds = array<i64: 32, 1>}, {transform_indices = @transform_3, window_bounds = array<i64: 1, 32, 1024>}]} {
    %get3A = arith.constant 0 : index
    %get3A_0 = arith.constant 0 : index
    %get3A_1 = vector.load %arg2[%get3A, %get3A_0] : memref<32x144xbf16, #tpu.memory_space<vmem>>, vector<32x144xbf16>
    %get3A_2 = arith.constant 0 : index
    %get3A_3 = arith.constant 0 : index
    %get3A_4 = arith.constant 0 : index
    %get3A_5 = vector.load %arg1[%get3A_2, %get3A_3, %get3A_4] : memref<1x144x1024xbf16, #tpu.memory_space<vmem>>, vector<1x144x1024xbf16>
    %get3A_6 = vector.shape_cast %get3A_5 : vector<1x144x1024xbf16> to vector<144x1024xbf16>
    %dot_general3A = arith.constant dense<0.000000e+00> : vector<32x1024xf32>
    %dot_general3A_7 = tpu.matmul %get3A_1, %get3A_6, %dot_general3A {dimension_numbers = #tpu.dot_dimension_numbers<[1], [0], [0], [1], [0, 0, 1, 1], [], []>, transpose_lhs_hint = false} : vector<32x144xbf16>, vector<144x1024xbf16>, vector<32x1024xf32> -> vector<32x1024xf32>
    %get3A_8 = arith.constant 0 : index
    %get3A_9 = arith.constant 0 : index
    %get3A_10 = vector.load %arg3[%get3A_8, %get3A_9] : memref<32x1xf32, #tpu.memory_space<vmem>>, vector<32x1xf32>
    %add3A = vector.broadcast %get3A_10 : vector<32x1xf32> to vector<32x1024xf32>
    %add3A_11 = arith.addf %dot_general3A_7, %add3A : vector<32x1024xf32>
    %swap3A = arith.constant 0 : index
    %swap3A_12 = arith.constant 0 : index
    %swap3A_13 = arith.constant 0 : index
    %swap3A_14 = vector.load %arg4[%swap3A, %swap3A_12, %swap3A_13] : memref<1x32x1024xf32, #tpu.memory_space<vmem>>, vector<1x32x1024xf32>
    %swap3A_15 = vector.shape_cast %swap3A_14 : vector<1x32x1024xf32> to vector<32x1024xf32>
    %swap3A_16 = vector.shape_cast %add3A_11 : vector<32x1024xf32> to vector<1x32x1024xf32>
    tpu.vector_store %arg4[%swap3A, %swap3A_12, %swap3A_13], %swap3A_16 {strides = array<i32>} : memref<1x32x1024xf32, #tpu.memory_space<vmem>>, vector<1x32x1024xf32>,
    return
  }
  func.func @transform_0(%arg0: i32) -> (i32, i32, i32) {
    %c0_i32 = arith.constant 0 : i32
    %c0_i32_0 = arith.constant 0 : i32
    %c0_i32_1 = arith.constant 0 : i32
    return %arg0, %c0_i32, %c0_i32_0 : i32, i32, i32
  }
  func.func @transform_1(%arg0: i32) -> (i32, i32) {
    %c0_i32 = arith.constant 0 : i32
    %c0_i32_0 = arith.constant 0 : i32
    %c0_i32_1 = arith.constant 0 : i32
    return %c0_i32, %c0_i32_0 : i32, i32
  }
  func.func @transform_2(%arg0: i32) -> (i32, i32) {
    %c0_i32 = arith.constant 0 : i32
    %c0_i32_0 = arith.constant 0 : i32
    %c0_i32_1 = arith.constant 0 : i32
    return %c0_i32, %c0_i32_0 : i32, i32
  }
  func.func @transform_3(%arg0: i32) -> (i32, i32, i32) {
    %c0_i32 = arith.constant 0 : i32
    %c0_i32_0 = arith.constant 0 : i32
    %c0_i32_1 = arith.constant 0 : i32
    return %arg0, %c0_i32, %c0_i32_0 : i32, i32, i32
  }
}

module attributes {stable_mosaic.version = 14 : i64} {
  func.func @body(%arg0: i32, %arg1: memref<1x288x256xbf16, #tpu.memory_space<vmem>>, %arg2: memref<64x288xbf16, #tpu.memory_space<vmem>>, %arg3: memref<64x1xf32, #tpu.memory_space<vmem>>, %arg4: memref<1x64x256xf32, #tpu.memory_space<vmem>>) attributes {dimension_semantics = [#tpu.dimension_semantics<arbitrary>], iteration_bounds = array<i64: 24>, scalar_prefetch = 0 : i64, scratch_operands = 0 : i64, tpu.core_type = #tpu.core_type<tc>, window_params = [{transform_indices = @transform_0, window_bounds = array<i64: 1, 288, 256>}, {pipeline_mode = #tpu.pipeline_mode<synchronous>, transform_indices = @transform_1, window_bounds = array<i64: 64, 288>}, {pipeline_mode = #tpu.pipeline_mode<synchronous>, transform_indices = @transform_2, window_bounds = array<i64: 64, 1>}, {transform_indices = @transform_3, window_bounds = array<i64: 1, 64, 256>}]} {
    %get3A = arith.constant 0 : index
    %get3A_0 = arith.constant 0 : index
    %get3A_1 = vector.load %arg2[%get3A, %get3A_0] : memref<64x288xbf16, #tpu.memory_space<vmem>>, vector<64x288xbf16>
    %get3A_2 = arith.constant 0 : index
    %get3A_3 = arith.constant 0 : index
    %get3A_4 = arith.constant 0 : index
    %get3A_5 = vector.load %arg1[%get3A_2, %get3A_3, %get3A_4] : memref<1x288x256xbf16, #tpu.memory_space<vmem>>, vector<1x288x256xbf16>
    %get3A_6 = vector.shape_cast %get3A_5 : vector<1x288x256xbf16> to vector<288x256xbf16>
    %dot_general3A = arith.constant dense<0.000000e+00> : vector<64x256xf32>
    %dot_general3A_7 = tpu.matmul %get3A_1, %get3A_6, %dot_general3A {dimension_numbers = #tpu.dot_dimension_numbers<[1], [0], [0], [1], [0, 0, 1, 1], [], []>, transpose_lhs_hint = false} : vector<64x288xbf16>, vector<288x256xbf16>, vector<64x256xf32> -> vector<64x256xf32>
    %get3A_8 = arith.constant 0 : index
    %get3A_9 = arith.constant 0 : index
    %get3A_10 = vector.load %arg3[%get3A_8, %get3A_9] : memref<64x1xf32, #tpu.memory_space<vmem>>, vector<64x1xf32>
    %add3A = vector.broadcast %get3A_10 : vector<64x1xf32> to vector<64x256xf32>
    %add3A_11 = arith.addf %dot_general3A_7, %add3A : vector<64x256xf32>
    %swap3A = arith.constant 0 : index
    %swap3A_12 = arith.constant 0 : index
    %swap3A_13 = arith.constant 0 : index
    %swap3A_14 = vector.load %arg4[%swap3A, %swap3A_12, %swap3A_13] : memref<1x64x256xf32, #tpu.memory_space<vmem>>, vector<1x64x256xf32>
    %swap3A_15 = vector.shape_cast %swap3A_14 : vector<1x64x256xf32> to vector<64x256xf32>
    %swap3A_16 = vector.shape_cast %add3A_11 : vector<64x256xf32> to vector<1x64x256xf32>
    tpu.vector_store %arg4[%swap3A, %swap3A_12, %swap3A_13], %swap3A_16 {strides = array<i32>} : memref<1x64x256xf32, #tpu.memory_space<vmem>>, vector<1x64x256xf32>,
    return
  }
  func.func @transform_0(%arg0: i32) -> (i32, i32, i32) {
    %c0_i32 = arith.constant 0 : i32
    %c0_i32_0 = arith.constant 0 : i32
    %c0_i32_1 = arith.constant 0 : i32
    return %arg0, %c0_i32, %c0_i32_0 : i32, i32, i32
  }
  func.func @transform_1(%arg0: i32) -> (i32, i32) {
    %c0_i32 = arith.constant 0 : i32
    %c0_i32_0 = arith.constant 0 : i32
    %c0_i32_1 = arith.constant 0 : i32
    return %c0_i32, %c0_i32_0 : i32, i32
  }
  func.func @transform_2(%arg0: i32) -> (i32, i32) {
    %c0_i32 = arith.constant 0 : i32
    %c0_i32_0 = arith.constant 0 : i32
    %c0_i32_1 = arith.constant 0 : i32
    return %c0_i32, %c0_i32_0 : i32, i32
  }
  func.func @transform_3(%arg0: i32) -> (i32, i32, i32) {
    %c0_i32 = arith.constant 0 : i32
    %c0_i32_0 = arith.constant 0 : i32
    %c0_i32_1 = arith.constant 0 : i32
    return %arg0, %c0_i32, %c0_i32_0 : i32, i32, i32
  }
}

module attributes {stable_mosaic.version = 14 : i64} {
  func.func @body(%arg0: i32, %arg1: memref<1x64x64xf32, #tpu.memory_space<vmem>>, %arg2: memref<1x2x64x64xf32, #tpu.memory_space<vmem>>, %arg3: memref<1x64x32xf32, #tpu.memory_space<vmem>>, %arg4: memref<1x2x64x64xf32, #tpu.memory_space<vmem>>, %arg5: memref<1x1x3xf32, #tpu.memory_space<vmem>>, %arg6: memref<1x1x32xi32, #tpu.memory_space<vmem>>, %arg7: memref<1x64x64xf32, #tpu.memory_space<vmem>>, %arg8: memref<1x1x64xi32, #tpu.memory_space<vmem>>) attributes {dimension_semantics = [#tpu.dimension_semantics<arbitrary>], iteration_bounds = array<i64: 8>, scalar_prefetch = 0 : i64, scratch_operands = 0 : i64, tpu.core_type = #tpu.core_type<tc>, window_params = [{transform_indices = @transform_0, window_bounds = array<i64: 1, 64, 64>}, {transform_indices = @transform_1, window_bounds = array<i64: 1, 2, 64, 64>}, {transform_indices = @transform_2, window_bounds = array<i64: 1, 64, 32>}, {transform_indices = @transform_3, window_bounds = array<i64: 1, 2, 64, 64>}, {transform_indices = @transform_4, window_bounds = array<i64: 1, 1, 3>}, {transform_indices = @transform_5, window_bounds = array<i64: 1, 1, 32>}, {transform_indices = @transform_6, window_bounds = array<i64: 1, 64, 64>}, {transform_indices = @transform_7, window_bounds = array<i64: 1, 1, 64>}]} {
    %get3A = arith.constant 0 : index
    %get3A_0 = arith.constant 0 : index
    %get3A_1 = arith.constant 0 : index
    %get3A_2 = vector.load %arg1[%get3A, %get3A_0, %get3A_1] : memref<1x64x64xf32, #tpu.memory_space<vmem>>, vector<1x64x64xf32>
    %get3A_3 = vector.shape_cast %get3A_2 : vector<1x64x64xf32> to vector<64x64xf32>
    %get3A_4 = arith.constant 0 : index
    %get3A_5 = arith.constant 0 : index
    %get3A_6 = arith.constant 0 : index
    %get3A_7 = vector.load %arg6[%get3A_4, %get3A_5, %get3A_6] : memref<1x1x32xi32, #tpu.memory_space<vmem>>, vector<1x1x32xi32>
    %get3A_8 = vector.shape_cast %get3A_7 : vector<1x1x32xi32> to vector<1x32xi32>
    %iota3A = tpu.iota {dimensions = array<i32: 0>} : vector<64x32xi32>
    %eq3A = vector.broadcast %get3A_8 : vector<1x32xi32> to vector<64x32xi32>
    %eq3A_9 = arith.cmpi eq, %iota3A, %eq3A : vector<64x32xi32>
    %convert_element_type3A = arith.extui %eq3A_9 : vector<64x32xi1> to vector<64x32xi32>
    %convert_element_type3A_10 = arith.sitofp %convert_element_type3A : vector<64x32xi32> to vector<64x32xf32>
    %dot_general3A = arith.constant dense<0.000000e+00> : vector<64x32xf32>
    %dot_general3A_11 = tpu.matmul %get3A_3, %convert_element_type3A_10, %dot_general3A {dimension_numbers = #tpu.dot_dimension_numbers<[1], [0], [0], [1], [0, 0, 1, 1], [], []>, precision = #tpu.contract_precision<fp32>, transpose_lhs_hint = false} : vector<64x64xf32>, vector<64x32xf32>, vector<64x32xf32> -> vector<64x32xf32>
    %get3A_12 = arith.constant 0 : index
    %get3A_13 = arith.constant 0 : index
    %get3A_14 = arith.constant 0 : index
    %get3A_15 = vector.load %arg5[%get3A_12, %get3A_13, %get3A_14] : memref<1x1x3xf32, #tpu.memory_space<vmem>>, vector<1x1x3xf32>
    %get3A_16 = vector.shape_cast %get3A_15 : vector<1x1x3xf32> to vector<1x3xf32>
    %slice3A = vector.extract_strided_slice %get3A_16 {offsets = [0, 0], sizes = [1, 1], strides = [1, 1]} : vector<1x3xf32> to vector<1x1xf32>
    %mul3A = vector.broadcast %slice3A : vector<1x1xf32> to vector<64x32xf32>
    %mul3A_17 = arith.mulf %dot_general3A_11, %mul3A : vector<64x32xf32>
    %get3A_18 = arith.constant 0 : index
    %get3A_19 = arith.constant 0 : index
    %get3A_20 = arith.constant 0 : index
    %get3A_21 = vector.load %arg3[%get3A_18, %get3A_19, %get3A_20] : memref<1x64x32xf32, #tpu.memory_space<vmem>>, vector<1x64x32xf32>
    %get3A_22 = vector.shape_cast %get3A_21 : vector<1x64x32xf32> to vector<64x32xf32>
    %convert_element_type3A_23 = arith.truncf %get3A_22 : vector<64x32xf32> to vector<64x32xbf16>
    %get3A_24 = arith.constant 0 : index
    %get3A_25 = arith.constant 0 : index
    %get3A_26 = arith.constant 0 : index
    %get3A_27 = arith.constant 0 : index
    %get3A_28 = vector.load %arg2[%get3A_24, %get3A_25, %get3A_26, %get3A_27] : memref<1x2x64x64xf32, #tpu.memory_space<vmem>>, vector<1x1x64x64xf32>
    %get3A_29 = vector.shape_cast %get3A_28 : vector<1x1x64x64xf32> to vector<64x64xf32>
    %get3A_30 = arith.constant 0 : index
    %get3A_31 = arith.constant 0 : index
    %get3A_32 = arith.constant 0 : index
    %get3A_33 = arith.constant 0 : index
    %get3A_34 = vector.load %arg4[%get3A_30, %get3A_31, %get3A_32, %get3A_33] : memref<1x2x64x64xf32, #tpu.memory_space<vmem>>, vector<1x1x64x64xf32>
    %get3A_35 = vector.shape_cast %get3A_34 : vector<1x1x64x64xf32> to vector<64x64xf32>
    %convert_element_type3A_36 = arith.truncf %get3A_35 : vector<64x64xf32> to vector<64x64xbf16>
    %dot_general3A_37 = arith.constant dense<0.000000e+00> : vector<32x64xf32>
    %dot_general3A_38 = tpu.matmul %convert_element_type3A_23, %convert_element_type3A_36, %dot_general3A_37 {dimension_numbers = #tpu.dot_dimension_numbers<[0], [0], [1], [1], [0, 1, 1, 1], [], []>, transpose_lhs_hint = false} : vector<64x32xbf16>, vector<64x64xbf16>, vector<32x64xf32> -> vector<32x64xf32>
    %argmax3A = tpu.reduce_index %dot_general3A_38 {axis = 1 : i32, kind = #tpu.reduction_kind<arg_max>} : vector<32x64xf32> -> vector<32xi32>
    %broadcast_in_dim3A = vector.shape_cast %argmax3A : vector<32xi32> to vector<1x32xi32>
    %eq3A_39 = vector.broadcast %broadcast_in_dim3A : vector<1x32xi32> to vector<64x32xi32>
    %eq3A_40 = arith.cmpi eq, %iota3A, %eq3A_39 : vector<64x32xi32>
    %convert_element_type3A_41 = arith.extui %eq3A_40 : vector<64x32xi1> to vector<64x32xi32>
    %convert_element_type3A_42 = arith.sitofp %convert_element_type3A_41 : vector<64x32xi32> to vector<64x32xf32>
    %dot_general3A_43 = arith.constant dense<0.000000e+00> : vector<64x32xf32>
    %dot_general3A_44 = tpu.matmul %get3A_29, %convert_element_type3A_42, %dot_general3A_43 {dimension_numbers = #tpu.dot_dimension_numbers<[1], [0], [0], [1], [0, 0, 1, 1], [], []>, precision = #tpu.contract_precision<fp32>, transpose_lhs_hint = false} : vector<64x64xf32>, vector<64x32xf32>, vector<64x32xf32> -> vector<64x32xf32>
    %slice3A_45 = vector.extract_strided_slice %get3A_16 {offsets = [0, 1], sizes = [1, 1], strides = [1, 1]} : vector<1x3xf32> to vector<1x1xf32>
    %mul3A_46 = vector.broadcast %slice3A_45 : vector<1x1xf32> to vector<64x32xf32>
    %mul3A_47 = arith.mulf %dot_general3A_44, %mul3A_46 : vector<64x32xf32>
    %add3A = arith.addf %mul3A_17, %mul3A_47 : vector<64x32xf32>
    %broadcast_in_dim3A_48 = vector.shape_cast %argmax3A : vector<32xi32> to vector<1x32xi32>
    %get3A_49 = arith.constant 0 : index
    %get3A_50 = arith.constant 1 : index
    %get3A_51 = arith.constant 0 : index
    %get3A_52 = arith.constant 0 : index
    %get3A_53 = vector.load %arg2[%get3A_49, %get3A_50, %get3A_51, %get3A_52] : memref<1x2x64x64xf32, #tpu.memory_space<vmem>>, vector<1x1x64x64xf32>
    %get3A_54 = vector.shape_cast %get3A_53 : vector<1x1x64x64xf32> to vector<64x64xf32>
    %get3A_55 = arith.constant 0 : index
    %get3A_56 = arith.constant 1 : index
    %get3A_57 = arith.constant 0 : index
    %get3A_58 = arith.constant 0 : index
    %get3A_59 = vector.load %arg4[%get3A_55, %get3A_56, %get3A_57, %get3A_58] : memref<1x2x64x64xf32, #tpu.memory_space<vmem>>, vector<1x1x64x64xf32>
    %get3A_60 = vector.shape_cast %get3A_59 : vector<1x1x64x64xf32> to vector<64x64xf32>
    %convert_element_type3A_61 = arith.truncf %get3A_60 : vector<64x64xf32> to vector<64x64xbf16>
    %dot_general3A_62 = arith.constant dense<0.000000e+00> : vector<32x64xf32>
    %dot_general3A_63 = tpu.matmul %convert_element_type3A_23, %convert_element_type3A_61, %dot_general3A_62 {dimension_numbers = #tpu.dot_dimension_numbers<[0], [0], [1], [1], [0, 1, 1, 1], [], []>, transpose_lhs_hint = false} : vector<64x32xbf16>, vector<64x64xbf16>, vector<32x64xf32> -> vector<32x64xf32>
    %argmax3A_64 = tpu.reduce_index %dot_general3A_63 {axis = 1 : i32, kind = #tpu.reduction_kind<arg_max>} : vector<32x64xf32> -> vector<32xi32>
    %broadcast_in_dim3A_65 = vector.shape_cast %argmax3A_64 : vector<32xi32> to vector<1x32xi32>
    %eq3A_66 = vector.broadcast %broadcast_in_dim3A_65 : vector<1x32xi32> to vector<64x32xi32>
    %eq3A_67 = arith.cmpi eq, %iota3A, %eq3A_66 : vector<64x32xi32>
    %convert_element_type3A_68 = arith.extui %eq3A_67 : vector<64x32xi1> to vector<64x32xi32>
    %convert_element_type3A_69 = arith.sitofp %convert_element_type3A_68 : vector<64x32xi32> to vector<64x32xf32>
    %dot_general3A_70 = arith.constant dense<0.000000e+00> : vector<64x32xf32>
    %dot_general3A_71 = tpu.matmul %get3A_54, %convert_element_type3A_69, %dot_general3A_70 {dimension_numbers = #tpu.dot_dimension_numbers<[1], [0], [0], [1], [0, 0, 1, 1], [], []>, precision = #tpu.contract_precision<fp32>, transpose_lhs_hint = false} : vector<64x64xf32>, vector<64x32xf32>, vector<64x32xf32> -> vector<64x32xf32>
    %slice3A_72 = vector.extract_strided_slice %get3A_16 {offsets = [0, 2], sizes = [1, 1], strides = [1, 1]} : vector<1x3xf32> to vector<1x1xf32>
    %mul3A_73 = vector.broadcast %slice3A_72 : vector<1x1xf32> to vector<64x32xf32>
    %mul3A_74 = arith.mulf %dot_general3A_71, %mul3A_73 : vector<64x32xf32>
    %add3A_75 = arith.addf %add3A, %mul3A_74 : vector<64x32xf32>
    %broadcast_in_dim3A_76 = vector.shape_cast %argmax3A_64 : vector<32xi32> to vector<1x32xi32>
    %dot_general3A_77 = arith.constant dense<0.000000e+00> : vector<64x64xf32>
    %dot_general3A_78 = tpu.matmul %add3A_75, %convert_element_type3A_10, %dot_general3A_77 {dimension_numbers = #tpu.dot_dimension_numbers<[1], [1], [0], [0], [0, 0, 1, 0], [], []>, precision = #tpu.contract_precision<fp32>, transpose_lhs_hint = false} : vector<64x32xf32>, vector<64x32xf32>, vector<64x64xf32> -> vector<64x64xf32>
    %reduce_sum3A = arith.constant dense<0.000000e+00> : vector<64xf32>
    %reduce_sum3A_79 = vector.multi_reduction <add>, %convert_element_type3A_10, %reduce_sum3A [1] : vector<64x32xf32> to vector<64xf32>
    %broadcast_in_dim3A_80 = vector.shape_cast %reduce_sum3A_79 : vector<64xf32> to vector<1x64xf32>
    %sub3A = arith.constant 1.000000e+00 : f32
    %sub3A_81 = vector.broadcast %sub3A : f32 to vector<1x64xf32>
    %sub3A_82 = arith.subf %sub3A_81, %broadcast_in_dim3A_80 : vector<1x64xf32>
    %mul3A_83 = vector.broadcast %sub3A_82 : vector<1x64xf32> to vector<64x64xf32>
    %mul3A_84 = arith.mulf %get3A_3, %mul3A_83 : vector<64x64xf32>
    %add3A_85 = arith.addf %mul3A_84, %dot_general3A_78 : vector<64x64xf32>
    %swap3A = arith.constant 0 : index
    %swap3A_86 = arith.constant 0 : index
    %swap3A_87 = arith.constant 0 : index
    %swap3A_88 = vector.load %arg7[%swap3A, %swap3A_86, %swap3A_87] : memref<1x64x64xf32, #tpu.memory_space<vmem>>, vector<1x64x64xf32>
    %swap3A_89 = vector.shape_cast %swap3A_88 : vector<1x64x64xf32> to vector<64x64xf32>
    %swap3A_90 = vector.shape_cast %add3A_85 : vector<64x64xf32> to vector<1x64x64xf32>
    tpu.vector_store %arg7[%swap3A, %swap3A_86, %swap3A_87], %swap3A_90 {strides = array<i32>} : memref<1x64x64xf32, #tpu.memory_space<vmem>>, vector<1x64x64xf32>,
    %concatenate3A = tpu.concatenate %broadcast_in_dim3A_48, %broadcast_in_dim3A_76 in 1 : vector<1x32xi32>, vector<1x32xi32> -> vector<1x64xi32>
    %swap3A_91 = arith.constant 0 : index
    %swap3A_92 = arith.constant 0 : index
    %swap3A_93 = arith.constant 0 : index
    %swap3A_94 = vector.load %arg8[%swap3A_91, %swap3A_92, %swap3A_93] : memref<1x1x64xi32, #tpu.memory_space<vmem>>, vector<1x1x64xi32>
    %swap3A_95 = vector.shape_cast %swap3A_94 : vector<1x1x64xi32> to vector<1x64xi32>
    %swap3A_96 = vector.shape_cast %concatenate3A : vector<1x64xi32> to vector<1x1x64xi32>
    tpu.vector_store %arg8[%swap3A_91, %swap3A_92, %swap3A_93], %swap3A_96 {strides = array<i32>} : memref<1x1x64xi32, #tpu.memory_space<vmem>>, vector<1x1x64xi32>,
    return
  }
  func.func @transform_0(%arg0: i32) -> (i32, i32, i32) {
    %c0_i32 = arith.constant 0 : i32
    %c0_i32_0 = arith.constant 0 : i32
    %c0_i32_1 = arith.constant 0 : i32
    return %arg0, %c0_i32, %c0_i32_0 : i32, i32, i32
  }
  func.func @transform_1(%arg0: i32) -> (i32, i32, i32, i32) {
    %c0_i32 = arith.constant 0 : i32
    %c0_i32_0 = arith.constant 0 : i32
    %c0_i32_1 = arith.constant 0 : i32
    %c0_i32_2 = arith.constant 0 : i32
    return %arg0, %c0_i32, %c0_i32_0, %c0_i32_1 : i32, i32, i32, i32
  }
  func.func @transform_2(%arg0: i32) -> (i32, i32, i32) {
    %c0_i32 = arith.constant 0 : i32
    %c0_i32_0 = arith.constant 0 : i32
    %c0_i32_1 = arith.constant 0 : i32
    return %arg0, %c0_i32, %c0_i32_0 : i32, i32, i32
  }
  func.func @transform_3(%arg0: i32) -> (i32, i32, i32, i32) {
    %c0_i32 = arith.constant 0 : i32
    %c0_i32_0 = arith.constant 0 : i32
    %c0_i32_1 = arith.constant 0 : i32
    %c0_i32_2 = arith.constant 0 : i32
    return %arg0, %c0_i32, %c0_i32_0, %c0_i32_1 : i32, i32, i32, i32
  }
  func.func @transform_4(%arg0: i32) -> (i32, i32, i32) {
    %c0_i32 = arith.constant 0 : i32
    %c0_i32_0 = arith.constant 0 : i32
    %c0_i32_1 = arith.constant 0 : i32
    return %arg0, %c0_i32, %c0_i32_0 : i32, i32, i32
  }
  func.func @transform_5(%arg0: i32) -> (i32, i32, i32) {
    %c0_i32 = arith.constant 0 : i32
    %c0_i32_0 = arith.constant 0 : i32
    %c0_i32_1 = arith.constant 0 : i32
    return %arg0, %c0_i32, %c0_i32_0 : i32, i32, i32
  }
  func.func @transform_6(%arg0: i32) -> (i32, i32, i32) {
    %c0_i32 = arith.constant 0 : i32
    %c0_i32_0 = arith.constant 0 : i32
    %c0_i32_1 = arith.constant 0 : i32
    return %arg0, %c0_i32, %c0_i32_0 : i32, i32, i32
  }
  func.func @transform_7(%arg0: i32) -> (i32, i32, i32) {
    %c0_i32 = arith.constant 0 : i32
    %c0_i32_0 = arith.constant 0 : i32
    %c0_i32_1 = arith.constant 0 : i32
    return %arg0, %c0_i32, %c0_i32_0 : i32, i32, i32
  }
}

module attributes {stable_mosaic.version = 14 : i64} {
  func.func @body(%arg0: i32, %arg1: memref<1x576x256xbf16, #tpu.memory_space<vmem>>, %arg2: memref<64x576xbf16, #tpu.memory_space<vmem>>, %arg3: memref<64x1xf32, #tpu.memory_space<vmem>>, %arg4: memref<1x64x256xf32, #tpu.memory_space<vmem>>) attributes {dimension_semantics = [#tpu.dimension_semantics<arbitrary>], iteration_bounds = array<i64: 8>, scalar_prefetch = 0 : i64, scratch_operands = 0 : i64, tpu.core_type = #tpu.core_type<tc>, window_params = [{transform_indices = @transform_0, window_bounds = array<i64: 1, 576, 256>}, {pipeline_mode = #tpu.pipeline_mode<synchronous>, transform_indices = @transform_1, window_bounds = array<i64: 64, 576>}, {pipeline_mode = #tpu.pipeline_mode<synchronous>, transform_indices = @transform_2, window_bounds = array<i64: 64, 1>}, {transform_indices = @transform_3, window_bounds = array<i64: 1, 64, 256>}]} {
    %get3A = arith.constant 0 : index
    %get3A_0 = arith.constant 0 : index
    %get3A_1 = vector.load %arg2[%get3A, %get3A_0] : memref<64x576xbf16, #tpu.memory_space<vmem>>, vector<64x576xbf16>
    %get3A_2 = arith.constant 0 : index
    %get3A_3 = arith.constant 0 : index
    %get3A_4 = arith.constant 0 : index
    %get3A_5 = vector.load %arg1[%get3A_2, %get3A_3, %get3A_4] : memref<1x576x256xbf16, #tpu.memory_space<vmem>>, vector<1x576x256xbf16>
    %get3A_6 = vector.shape_cast %get3A_5 : vector<1x576x256xbf16> to vector<576x256xbf16>
    %dot_general3A = arith.constant dense<0.000000e+00> : vector<64x256xf32>
    %dot_general3A_7 = tpu.matmul %get3A_1, %get3A_6, %dot_general3A {dimension_numbers = #tpu.dot_dimension_numbers<[1], [0], [0], [1], [0, 0, 1, 1], [], []>, transpose_lhs_hint = false} : vector<64x576xbf16>, vector<576x256xbf16>, vector<64x256xf32> -> vector<64x256xf32>
    %get3A_8 = arith.constant 0 : index
    %get3A_9 = arith.constant 0 : index
    %get3A_10 = vector.load %arg3[%get3A_8, %get3A_9] : memref<64x1xf32, #tpu.memory_space<vmem>>, vector<64x1xf32>
    %add3A = vector.broadcast %get3A_10 : vector<64x1xf32> to vector<64x256xf32>
    %add3A_11 = arith.addf %dot_general3A_7, %add3A : vector<64x256xf32>
    %swap3A = arith.constant 0 : index
    %swap3A_12 = arith.constant 0 : index
    %swap3A_13 = arith.constant 0 : index
    %swap3A_14 = vector.load %arg4[%swap3A, %swap3A_12, %swap3A_13] : memref<1x64x256xf32, #tpu.memory_space<vmem>>, vector<1x64x256xf32>
    %swap3A_15 = vector.shape_cast %swap3A_14 : vector<1x64x256xf32> to vector<64x256xf32>
    %swap3A_16 = vector.shape_cast %add3A_11 : vector<64x256xf32> to vector<1x64x256xf32>
    tpu.vector_store %arg4[%swap3A, %swap3A_12, %swap3A_13], %swap3A_16 {strides = array<i32>} : memref<1x64x256xf32, #tpu.memory_space<vmem>>, vector<1x64x256xf32>,
    return
  }
  func.func @transform_0(%arg0: i32) -> (i32, i32, i32) {
    %c0_i32 = arith.constant 0 : i32
    %c0_i32_0 = arith.constant 0 : i32
    %c0_i32_1 = arith.constant 0 : i32
    return %arg0, %c0_i32, %c0_i32_0 : i32, i32, i32
  }
  func.func @transform_1(%arg0: i32) -> (i32, i32) {
    %c0_i32 = arith.constant 0 : i32
    %c0_i32_0 = arith.constant 0 : i32
    %c0_i32_1 = arith.constant 0 : i32
    return %c0_i32, %c0_i32_0 : i32, i32
  }
  func.func @transform_2(%arg0: i32) -> (i32, i32) {
    %c0_i32 = arith.constant 0 : i32
    %c0_i32_0 = arith.constant 0 : i32
    %c0_i32_1 = arith.constant 0 : i32
    return %c0_i32, %c0_i32_0 : i32, i32
  }
  func.func @transform_3(%arg0: i32) -> (i32, i32, i32) {
    %c0_i32 = arith.constant 0 : i32
    %c0_i32_0 = arith.constant 0 : i32
    %c0_i32_1 = arith.constant 0 : i32
    return %arg0, %c0_i32, %c0_i32_0 : i32, i32, i32
  }
}

module attributes {stable_mosaic.version = 14 : i64} {
  func.func @body(%arg0: i32, %arg1: memref<1x576x1024xbf16, #tpu.memory_space<vmem>>, %arg2: memref<32x576xbf16, #tpu.memory_space<vmem>>, %arg3: memref<32x1xf32, #tpu.memory_space<vmem>>, %arg4: memref<1x32x1024xf32, #tpu.memory_space<vmem>>) attributes {dimension_semantics = [#tpu.dimension_semantics<arbitrary>], iteration_bounds = array<i64: 8>, scalar_prefetch = 0 : i64, scratch_operands = 0 : i64, tpu.core_type = #tpu.core_type<tc>, window_params = [{transform_indices = @transform_0, window_bounds = array<i64: 1, 576, 1024>}, {pipeline_mode = #tpu.pipeline_mode<synchronous>, transform_indices = @transform_1, window_bounds = array<i64: 32, 576>}, {pipeline_mode = #tpu.pipeline_mode<synchronous>, transform_indices = @transform_2, window_bounds = array<i64: 32, 1>}, {transform_indices = @transform_3, window_bounds = array<i64: 1, 32, 1024>}]} {
    %get3A = arith.constant 0 : index
    %get3A_0 = arith.constant 0 : index
    %get3A_1 = vector.load %arg2[%get3A, %get3A_0] : memref<32x576xbf16, #tpu.memory_space<vmem>>, vector<32x576xbf16>
    %get3A_2 = arith.constant 0 : index
    %get3A_3 = arith.constant 0 : index
    %get3A_4 = arith.constant 0 : index
    %get3A_5 = vector.load %arg1[%get3A_2, %get3A_3, %get3A_4] : memref<1x576x1024xbf16, #tpu.memory_space<vmem>>, vector<1x576x1024xbf16>
    %get3A_6 = vector.shape_cast %get3A_5 : vector<1x576x1024xbf16> to vector<576x1024xbf16>
    %dot_general3A = arith.constant dense<0.000000e+00> : vector<32x1024xf32>
    %dot_general3A_7 = tpu.matmul %get3A_1, %get3A_6, %dot_general3A {dimension_numbers = #tpu.dot_dimension_numbers<[1], [0], [0], [1], [0, 0, 1, 1], [], []>, transpose_lhs_hint = false} : vector<32x576xbf16>, vector<576x1024xbf16>, vector<32x1024xf32> -> vector<32x1024xf32>
    %get3A_8 = arith.constant 0 : index
    %get3A_9 = arith.constant 0 : index
    %get3A_10 = vector.load %arg3[%get3A_8, %get3A_9] : memref<32x1xf32, #tpu.memory_space<vmem>>, vector<32x1xf32>
    %add3A = vector.broadcast %get3A_10 : vector<32x1xf32> to vector<32x1024xf32>
    %add3A_11 = arith.addf %dot_general3A_7, %add3A : vector<32x1024xf32>
    %swap3A = arith.constant 0 : index
    %swap3A_12 = arith.constant 0 : index
    %swap3A_13 = arith.constant 0 : index
    %swap3A_14 = vector.load %arg4[%swap3A, %swap3A_12, %swap3A_13] : memref<1x32x1024xf32, #tpu.memory_space<vmem>>, vector<1x32x1024xf32>
    %swap3A_15 = vector.shape_cast %swap3A_14 : vector<1x32x1024xf32> to vector<32x1024xf32>
    %swap3A_16 = vector.shape_cast %add3A_11 : vector<32x1024xf32> to vector<1x32x1024xf32>
    tpu.vector_store %arg4[%swap3A, %swap3A_12, %swap3A_13], %swap3A_16 {strides = array<i32>} : memref<1x32x1024xf32, #tpu.memory_space<vmem>>, vector<1x32x1024xf32>,
    return
  }
  func.func @transform_0(%arg0: i32) -> (i32, i32, i32) {
    %c0_i32 = arith.constant 0 : i32
    %c0_i32_0 = arith.constant 0 : i32
    %c0_i32_1 = arith.constant 0 : i32
    return %arg0, %c0_i32, %c0_i32_0 : i32, i32, i32
  }
  func.func @transform_1(%arg0: i32) -> (i32, i32) {
    %c0_i32 = arith.constant 0 : i32
    %c0_i32_0 = arith.constant 0 : i32
    %c0_i32_1 = arith.constant 0 : i32
    return %c0_i32, %c0_i32_0 : i32, i32
  }
  func.func @transform_2(%arg0: i32) -> (i32, i32) {
    %c0_i32 = arith.constant 0 : i32
    %c0_i32_0 = arith.constant 0 : i32
    %c0_i32_1 = arith.constant 0 : i32
    return %c0_i32, %c0_i32_0 : i32, i32
  }
  func.func @transform_3(%arg0: i32) -> (i32, i32, i32) {
    %c0_i32 = arith.constant 0 : i32
    %c0_i32_0 = arith.constant 0 : i32
    %c0_i32_1 = arith.constant 0 : i32
    return %arg0, %c0_i32, %c0_i32_0 : i32, i32, i32
  }
}

module attributes {stable_mosaic.version = 14 : i64} {
  func.func @body(%arg0: i32, %arg1: memref<1x288x4096xbf16, #tpu.memory_space<vmem>>, %arg2: memref<16x288xbf16, #tpu.memory_space<vmem>>, %arg3: memref<16x1xf32, #tpu.memory_space<vmem>>, %arg4: memref<1x16x4096xf32, #tpu.memory_space<vmem>>) attributes {dimension_semantics = [#tpu.dimension_semantics<arbitrary>], iteration_bounds = array<i64: 8>, scalar_prefetch = 0 : i64, scratch_operands = 0 : i64, tpu.core_type = #tpu.core_type<tc>, window_params = [{transform_indices = @transform_0, window_bounds = array<i64: 1, 288, 4096>}, {pipeline_mode = #tpu.pipeline_mode<synchronous>, transform_indices = @transform_1, window_bounds = array<i64: 16, 288>}, {pipeline_mode = #tpu.pipeline_mode<synchronous>, transform_indices = @transform_2, window_bounds = array<i64: 16, 1>}, {transform_indices = @transform_3, window_bounds = array<i64: 1, 16, 4096>}]} {
    %get3A = arith.constant 0 : index
    %get3A_0 = arith.constant 0 : index
    %get3A_1 = vector.load %arg2[%get3A, %get3A_0] : memref<16x288xbf16, #tpu.memory_space<vmem>>, vector<16x288xbf16>
    %get3A_2 = arith.constant 0 : index
    %get3A_3 = arith.constant 0 : index
    %get3A_4 = arith.constant 0 : index
    %get3A_5 = vector.load %arg1[%get3A_2, %get3A_3, %get3A_4] : memref<1x288x4096xbf16, #tpu.memory_space<vmem>>, vector<1x288x4096xbf16>
    %get3A_6 = vector.shape_cast %get3A_5 : vector<1x288x4096xbf16> to vector<288x4096xbf16>
    %dot_general3A = arith.constant dense<0.000000e+00> : vector<16x4096xf32>
    %dot_general3A_7 = tpu.matmul %get3A_1, %get3A_6, %dot_general3A {dimension_numbers = #tpu.dot_dimension_numbers<[1], [0], [0], [1], [0, 0, 1, 1], [], []>, transpose_lhs_hint = false} : vector<16x288xbf16>, vector<288x4096xbf16>, vector<16x4096xf32> -> vector<16x4096xf32>
    %get3A_8 = arith.constant 0 : index
    %get3A_9 = arith.constant 0 : index
    %get3A_10 = vector.load %arg3[%get3A_8, %get3A_9] : memref<16x1xf32, #tpu.memory_space<vmem>>, vector<16x1xf32>
    %add3A = vector.broadcast %get3A_10 : vector<16x1xf32> to vector<16x4096xf32>
    %add3A_11 = arith.addf %dot_general3A_7, %add3A : vector<16x4096xf32>
    %swap3A = arith.constant 0 : index
    %swap3A_12 = arith.constant 0 : index
    %swap3A_13 = arith.constant 0 : index
    %swap3A_14 = vector.load %arg4[%swap3A, %swap3A_12, %swap3A_13] : memref<1x16x4096xf32, #tpu.memory_space<vmem>>, vector<1x16x4096xf32>
    %swap3A_15 = vector.shape_cast %swap3A_14 : vector<1x16x4096xf32> to vector<16x4096xf32>
    %swap3A_16 = vector.shape_cast %add3A_11 : vector<16x4096xf32> to vector<1x16x4096xf32>
    tpu.vector_store %arg4[%swap3A, %swap3A_12, %swap3A_13], %swap3A_16 {strides = array<i32>} : memref<1x16x4096xf32, #tpu.memory_space<vmem>>, vector<1x16x4096xf32>,
    return
  }
  func.func @transform_0(%arg0: i32) -> (i32, i32, i32) {
    %c0_i32 = arith.constant 0 : i32
    %c0_i32_0 = arith.constant 0 : i32
    %c0_i32_1 = arith.constant 0 : i32
    return %arg0, %c0_i32, %c0_i32_0 : i32, i32, i32
  }
  func.func @transform_1(%arg0: i32) -> (i32, i32) {
    %c0_i32 = arith.constant 0 : i32
    %c0_i32_0 = arith.constant 0 : i32
    %c0_i32_1 = arith.constant 0 : i32
    return %c0_i32, %c0_i32_0 : i32, i32
  }
  func.func @transform_2(%arg0: i32) -> (i32, i32) {
    %c0_i32 = arith.constant 0 : i32
    %c0_i32_0 = arith.constant 0 : i32
    %c0_i32_1 = arith.constant 0 : i32
    return %c0_i32, %c0_i32_0 : i32, i32
  }
  func.func @transform_3(%arg0: i32) -> (i32, i32, i32) {
    %c0_i32 = arith.constant 0 : i32
    %c0_i32_0 = arith.constant 0 : i32
    %c0_i32_1 = arith.constant 0 : i32
    return %arg0, %c0_i32, %c0_i32_0 : i32, i32, i32
  }
}

module attributes {stable_mosaic.version = 14 : i64} {
  func.func @body(%arg0: i32, %arg1: memref<1x144x16384xbf16, #tpu.memory_space<vmem>>, %arg2: memref<8x144xbf16, #tpu.memory_space<vmem>>, %arg3: memref<8x1xf32, #tpu.memory_space<vmem>>, %arg4: memref<1x8x16384xf32, #tpu.memory_space<vmem>>) attributes {dimension_semantics = [#tpu.dimension_semantics<arbitrary>], iteration_bounds = array<i64: 8>, scalar_prefetch = 0 : i64, scratch_operands = 0 : i64, tpu.core_type = #tpu.core_type<tc>, window_params = [{transform_indices = @transform_0, window_bounds = array<i64: 1, 144, 16384>}, {pipeline_mode = #tpu.pipeline_mode<synchronous>, transform_indices = @transform_1, window_bounds = array<i64: 8, 144>}, {pipeline_mode = #tpu.pipeline_mode<synchronous>, transform_indices = @transform_2, window_bounds = array<i64: 8, 1>}, {transform_indices = @transform_3, window_bounds = array<i64: 1, 8, 16384>}]} {
    %get3A = arith.constant 0 : index
    %get3A_0 = arith.constant 0 : index
    %get3A_1 = vector.load %arg2[%get3A, %get3A_0] : memref<8x144xbf16, #tpu.memory_space<vmem>>, vector<8x144xbf16>
    %get3A_2 = arith.constant 0 : index
    %get3A_3 = arith.constant 0 : index
    %get3A_4 = arith.constant 0 : index
    %get3A_5 = vector.load %arg1[%get3A_2, %get3A_3, %get3A_4] : memref<1x144x16384xbf16, #tpu.memory_space<vmem>>, vector<1x144x16384xbf16>
    %get3A_6 = vector.shape_cast %get3A_5 : vector<1x144x16384xbf16> to vector<144x16384xbf16>
    %dot_general3A = arith.constant dense<0.000000e+00> : vector<8x16384xf32>
    %dot_general3A_7 = tpu.matmul %get3A_1, %get3A_6, %dot_general3A {dimension_numbers = #tpu.dot_dimension_numbers<[1], [0], [0], [1], [0, 0, 1, 1], [], []>, transpose_lhs_hint = false} : vector<8x144xbf16>, vector<144x16384xbf16>, vector<8x16384xf32> -> vector<8x16384xf32>
    %get3A_8 = arith.constant 0 : index
    %get3A_9 = arith.constant 0 : index
    %get3A_10 = vector.load %arg3[%get3A_8, %get3A_9] : memref<8x1xf32, #tpu.memory_space<vmem>>, vector<8x1xf32>
    %add3A = vector.broadcast %get3A_10 : vector<8x1xf32> to vector<8x16384xf32>
    %add3A_11 = arith.addf %dot_general3A_7, %add3A : vector<8x16384xf32>
    %swap3A = arith.constant 0 : index
    %swap3A_12 = arith.constant 0 : index
    %swap3A_13 = arith.constant 0 : index
    %swap3A_14 = vector.load %arg4[%swap3A, %swap3A_12, %swap3A_13] : memref<1x8x16384xf32, #tpu.memory_space<vmem>>, vector<1x8x16384xf32>
    %swap3A_15 = vector.shape_cast %swap3A_14 : vector<1x8x16384xf32> to vector<8x16384xf32>
    %swap3A_16 = vector.shape_cast %add3A_11 : vector<8x16384xf32> to vector<1x8x16384xf32>
    tpu.vector_store %arg4[%swap3A, %swap3A_12, %swap3A_13], %swap3A_16 {strides = array<i32>} : memref<1x8x16384xf32, #tpu.memory_space<vmem>>, vector<1x8x16384xf32>,
    return
  }
  func.func @transform_0(%arg0: i32) -> (i32, i32, i32) {
    %c0_i32 = arith.constant 0 : i32
    %c0_i32_0 = arith.constant 0 : i32
    %c0_i32_1 = arith.constant 0 : i32
    return %arg0, %c0_i32, %c0_i32_0 : i32, i32, i32
  }
  func.func @transform_1(%arg0: i32) -> (i32, i32) {
    %c0_i32 = arith.constant 0 : i32
    %c0_i32_0 = arith.constant 0 : i32
    %c0_i32_1 = arith.constant 0 : i32
    return %c0_i32, %c0_i32_0 : i32, i32
  }
  func.func @transform_2(%arg0: i32) -> (i32, i32) {
    %c0_i32 = arith.constant 0 : i32
    %c0_i32_0 = arith.constant 0 : i32
    %c0_i32_1 = arith.constant 0 : i32
    return %c0_i32, %c0_i32_0 : i32, i32
  }
  func.func @transform_3(%arg0: i32) -> (i32, i32, i32) {
    %c0_i32 = arith.constant 0 : i32
    %c0_i32_0 = arith.constant 0 : i32
    %c0_i32_1 = arith.constant 0 : i32
    return %arg0, %c0_i32, %c0_i32_0 : i32, i32, i32
  }
}

module attributes {stable_mosaic.version = 14 : i64} {
  func.func @body(%arg0: i32, %arg1: memref<1x200x16384xbf16, #tpu.memory_space<vmem>>, %arg2: memref<3x200xbf16, #tpu.memory_space<vmem>>, %arg3: memref<3x1xf32, #tpu.memory_space<vmem>>, %arg4: memref<1x3x16384xf32, #tpu.memory_space<vmem>>) attributes {dimension_semantics = [#tpu.dimension_semantics<arbitrary>], iteration_bounds = array<i64: 8>, scalar_prefetch = 0 : i64, scratch_operands = 0 : i64, tpu.core_type = #tpu.core_type<tc>, window_params = [{transform_indices = @transform_0, window_bounds = array<i64: 1, 200, 16384>}, {pipeline_mode = #tpu.pipeline_mode<synchronous>, transform_indices = @transform_1, window_bounds = array<i64: 3, 200>}, {pipeline_mode = #tpu.pipeline_mode<synchronous>, transform_indices = @transform_2, window_bounds = array<i64: 3, 1>}, {transform_indices = @transform_3, window_bounds = array<i64: 1, 3, 16384>}]} {
    %get3A = arith.constant 0 : index
    %get3A_0 = arith.constant 0 : index
    %get3A_1 = vector.load %arg2[%get3A, %get3A_0] : memref<3x200xbf16, #tpu.memory_space<vmem>>, vector<3x200xbf16>
    %get3A_2 = arith.constant 0 : index
    %get3A_3 = arith.constant 0 : index
    %get3A_4 = arith.constant 0 : index
    %get3A_5 = vector.load %arg1[%get3A_2, %get3A_3, %get3A_4] : memref<1x200x16384xbf16, #tpu.memory_space<vmem>>, vector<1x200x16384xbf16>
    %get3A_6 = vector.shape_cast %get3A_5 : vector<1x200x16384xbf16> to vector<200x16384xbf16>
    %dot_general3A = arith.constant dense<0.000000e+00> : vector<3x16384xf32>
    %dot_general3A_7 = tpu.matmul %get3A_1, %get3A_6, %dot_general3A {dimension_numbers = #tpu.dot_dimension_numbers<[1], [0], [0], [1], [0, 0, 1, 1], [], []>, transpose_lhs_hint = false} : vector<3x200xbf16>, vector<200x16384xbf16>, vector<3x16384xf32> -> vector<3x16384xf32>
    %get3A_8 = arith.constant 0 : index
    %get3A_9 = arith.constant 0 : index
    %get3A_10 = vector.load %arg3[%get3A_8, %get3A_9] : memref<3x1xf32, #tpu.memory_space<vmem>>, vector<3x1xf32>
    %add3A = vector.broadcast %get3A_10 : vector<3x1xf32> to vector<3x16384xf32>
    %add3A_11 = arith.addf %dot_general3A_7, %add3A : vector<3x16384xf32>
    %tanh3A = math.tanh %add3A_11 : vector<3x16384xf32>
    %swap3A = arith.constant 0 : index
    %swap3A_12 = arith.constant 0 : index
    %swap3A_13 = arith.constant 0 : index
    %swap3A_14 = vector.load %arg4[%swap3A, %swap3A_12, %swap3A_13] : memref<1x3x16384xf32, #tpu.memory_space<vmem>>, vector<1x3x16384xf32>
    %swap3A_15 = vector.shape_cast %swap3A_14 : vector<1x3x16384xf32> to vector<3x16384xf32>
    %swap3A_16 = vector.shape_cast %tanh3A : vector<3x16384xf32> to vector<1x3x16384xf32>
    tpu.vector_store %arg4[%swap3A, %swap3A_12, %swap3A_13], %swap3A_16 {strides = array<i32>} : memref<1x3x16384xf32, #tpu.memory_space<vmem>>, vector<1x3x16384xf32>,
    return
  }
  func.func @transform_0(%arg0: i32) -> (i32, i32, i32) {
    %c0_i32 = arith.constant 0 : i32
    %c0_i32_0 = arith.constant 0 : i32
    %c0_i32_1 = arith.constant 0 : i32
    return %arg0, %c0_i32, %c0_i32_0 : i32, i32, i32
  }
  func.func @transform_1(%arg0: i32) -> (i32, i32) {
    %c0_i32 = arith.constant 0 : i32
    %c0_i32_0 = arith.constant 0 : i32
    %c0_i32_1 = arith.constant 0 : i32
    return %c0_i32, %c0_i32_0 : i32, i32
  }
  func.func @transform_2(%arg0: i32) -> (i32, i32) {
    %c0_i32 = arith.constant 0 : i32
    %c0_i32_0 = arith.constant 0 : i32
    %c0_i32_1 = arith.constant 0 : i32
    return %c0_i32, %c0_i32_0 : i32, i32
  }
  func.func @transform_3(%arg0: i32) -> (i32, i32, i32) {
    %c0_i32 = arith.constant 0 : i32
    %c0_i32_0 = arith.constant 0 : i32
    %c0_i32_1 = arith.constant 0 : i32
    return %arg0, %c0_i32, %c0_i32_0 : i32, i32, i32
  }
}

</mosaic_0001>

<sc_bundles>
// kernel: sparse-core-data-format-call.cloned.1.call-start
scs
called_computation_lowered:
.L_overlay_start_0:
0x0: {  	s1 =	sld [smem:$0x3FD9]  }
0x1: {  	s2 =	sld [smem:$0x3FFE];
	_ =	sdelay $0x1  }
0x2: {  	s3 =	srdreg.scid  }
0x3: {  	s0 =	sand.u32 $0x1, s3  }
0x4: {  	s17 =	sshll.u32 s0, $0xA;
	s1 =	sadd.s32 s2, s1  }
0x5: {  	s1 =	sadd.s32 s1, s17  }
0x6: {  	[smem:$0x3FB3] =	sst s1  }
0x7: {  	_ = 	snop  }
0x8: {  	(tm) =	ssettm $0x1  }
0x9: {  	s18 =	sld [smem:$0x3FFB];
	_ =	sdelay $0x3  }
0xa: {  	_ =	strace s18  }
0xb: {  	s1 =	sld [smem:$0x3FFC];
	_ =	sdelay $0x3  }
0xc: {  	_ =	strace s1  }
0xd: {  	s1 =	sld [smem:$0x3FFD];
	_ =	sdelay $0x3  }
0xe: {  	_ =	strace s1  }
0xf: {  	_ =	strace $0x8FFFFFFF  }
0x10: {  	s19 =	sld [smem:$0x3FDB];
	_ =	sdelay $0x1  }
0x11: {  	s20 =	simm.s32 $_scs_section_size  }
0x12: {  	s4 =	simm.s32 $_size__tile_overlayer_lowered;
	s5 =	simm.s32 $_tile_overlayer_lowered  }
0x13: {  	s23 =	simm.s32 $0x1BFF;
	s22 =	sshll.u32 s5, $0x1;
	s1 =	sadd.s32 s20, s19  }
0x14: {  	s6 =	simm.s32 $0x0;
	s21 =	sshll.u32 s4, $0x1;
	s4 =	sadd.s32 s22, s1  }
0x15: {  	[timem:s6], [sflag:s23] =	dma.local [hbm:s4], s21  }
0x16: {  	_ =	swait.ge [sflag:s23], s21  }
0x17: {  	s2 =	ssub.s32 $0x0, s21;
	[sflag:s23] =	ssyncset.done $0x0  }
0x18: {  	[sflag:s23] =	ssyncadd.s32 s2;
	_ =	sdelay $0x1  }
0x19: {  	s24 =	simm.s32 $0x1B8B  }
0x1a: {  	_ =	swait.ge [sflag:s24], $0x1  }
0x1b: {  	[sflag:s24] =	ssyncset.done $0x0  }
0x1c: {  	s26 =	simm.s32 $0x1B8E;
	s25 =	sld [smem:$0x3FFE];
	[sflag:s24] =	ssyncadd.s32 $0xFFFFFFFF  }
0x1d: {  	s27 =	simm.s32 $execute0_lowered;
	[smem:$0x3FD2] =	sst s26  }
0x1e: {  	s4 =	sshll.u32 s27, $0x1;
	_ =	strace $0x80000046;
	[dreg:$0x1] =	wrdreg $0xFFFFFFFF  }
0x1f: {  	s28 =	simm.s32 $_size_execute0_lowered;
	s1 =	sadd.s32 s1, s4;
	[dreg:$0x0] =	wrdreg $0x0  }
0x20: {  	s4 =	sshll.u32 s28, $0x1;
	[dreg:$0x2] =	wrdreg s1  }
0x21: {  	[dreg:$0x3] =	wrdreg s4  }
0x22: {  	[dreg:$0x4] =	wrdreg $0xC0  }
0x23: {  	_ =	task [dreg:s6], $0x5FFFF  }
0x24: {  	[dreg:$0x1] =	wrdreg $0xFFFFFFFF  }
0x25: {  	[dreg:$0x0] =	wrdreg $0x60  }
0x26: {  	[dreg:$0x2] =	wrdreg s25  }
0x27: {  	[dreg:$0x3] =	wrdreg $0x9  }
0x28: {  	_ =	task.clear_ibuf [dreg:s6], $0x4FFFF;
	_ =	strace $0x90000046  }
0x29: {  	s29 =	simm.s32 $0x9;
	_ =	strace $0x80000048  }
0x2a: {  	_ =	swait.ge [sflag:s29], $0x1  }
0x2b: {  	[sflag:s29] =	ssyncadd.s32 $0xFFFFFFFF  }
0x2c: {  	_ =	strace $0x90000048  }
0x2d: {  	_ =	sfence  }
0x2e: {  	s30 =	sld [smem:$0x0];
	_ =	sdelay $0x2  }
0x2f: {  	s31 =	sshll.u32 s3, $0xD;
	s3 =	sshrl.u32 s3, $0x2  }
0x30: {  	s2 =	sand.u32 $0x4000, s31;
	s1 =	sadd.s32 s3, s30  }
0x31: {  	s0 =	sor.u32 s2, s0;
	s1 =	sshll.u32 s1, $0x11  }
0x32: {  	s0 =	sor.u32 s1, s0  }
0x33: {  	s0 =	sadd.s32 $0x8F2B, s0  }
0x34: {  	[sflag:s0] =	ssyncadd.remote.s32 $0x1  }
0x35: {  	_ =	sfence.sel $0xFFFF  }
0x36: {  	[dreg:$0x0] =	wrdreg $0xFFFFFFFF;
	(pc) =	sbr.abs _section_cstart, $3  }
0x37: {  	[dreg:$0x1] =	wrdreg $0xFFFFFFFF  }
0x38: {  	_ =	task.clear_ibuf [dreg:s6], $0x2FFFF;
	_ =	strace $0x9FFFFFFF  }
0x39: {  	(tm) =	ssettm $0x7FFFFFFF  }
tec
execute0_lowered:
.L_overlay_start_1:
0x0: {  	(tag) =	ssettag $0x1  }
0x1: {  	s1 =	srdreg.scid  }
0x2: {  	s0 =	stileid.u32;
	s1 =	sshll.u32 s1, $0x4  }
0x3: {  	s6 =	rddreg [dreg:$0x0];
	s5 =	simm.s32 $0x1;
	s1 =	sor.u32 s0, s1  }
0x4: {  	s8 =	simm.s32 $0x2;
	s15 =	simm.s32 $0x0;
	s1 =	sshrl.u32 s1, $0x2  }
0x5: {  	s14 =	simm.s32 $0x0;
	s16 =	simm.s32 $0x0;
	s2 =	sand.u32 $0x6, s1  }
0x6: {  	s17 =	simm.s32 $0x0;
	s10 =	simm.s32 $0x0;
	s3 =	ssub.s32 $0x10, s2  }
0x7: {  	s12 =	simm.s32 $0x0;
	s13 =	simm.s32 $0x0;
	s4 =	sand.u32 $0x6, s3  }
0x8: {  	s1 =	rddreg [dreg:$0x1];
	_ =	strace $0x80000047;
	p0 =	sne.s32 s4, $0x0  }
.Ltmp0:
0x9: {  	s7 =	sshrl.u32 s3, $0x3;
	s5 =	simm.s32 @!p0 $0x0;
	(pc) =	sbr.rel .LBB1_1-.Ltmp0, $4  }
0xa: {  	s9 =	smov.u32 s2;
	s3 =	sadd.s32 $0x400, s6;
	s5 =	sadd.s32 s5, s7  }
0xb: {  	s6 =	sadd.s32 $0x120400, s6;
	s4 =	simm.s32 $0x1;
	s5 =	smul.u32 $0x9, s5  }
0xc: {  	[sflag:s4] =	ssyncpa.u1 $0x0;
	p0 =	por $0x0, $0x0;
	s7 =	sand.u32 $0x7, s0  }
0xd: {  	[sflag:s8] =	ssyncpa.u1 $0x0;
	s11 =	smov.u32 s7;
	s8 =	sadd.s32 $0x1, s5  }
.LBB1_4:
0xe: {  	v11 =	vld [tilespmem:s21+$0xFFFFFFE0];
	v12 =	vcombine.low v6, v7  }
0xf: {  	v3 =	vperm.xlane.i2c.b16 v3;
	[tilespmem:s23+$0x3870 ss:$0x81] =	vst.msk $0xffff, v9;
	v45 =	vld [tilespmem:s21+$0xFFFFFFF0];
	v4 =	vperm.xlane.i2c.b16 v4  }
0x10: {  	v46 =	vcombine.high v6, v7;
	[tilespmem:s20+$0x2040 ss:$0x81] =	vst.msk $0xffff, v10;
	v47 =	vld [tilespmem:s21+$0x0];
	v5 =	vperm.xlane.i2c.b16 v5  }
0x11: {  	v49 =	vld [tilespmem:s21+$0x10];
	v1 =	vperm.xlane.i2c.b16 v1;
	[tilespmem:s23+$0x810 ss:$0x81] =	vst.msk $0xffff, v12;
	v48 =	vcombine.low v8, v3  }
0x12: {  	v51 =	vld [tilespmem:s21+$0xFFFFFFC0];
	v58 =	vperm.xlane.i2c.b16 v2;
	v50 =	vcombine.low v4, v0;
	[tilespmem:s23+$0x2850 ss:$0x81] =	vst.msk $0xffff, v46  }
0x13: {  	s24 =	sshra.s32 s22, $0x2;
	v3 =	vcombine.high v8, v3;
	v52 =	vcombine.low v1, v5;
	[tilespmem:s23+$0x1020 ss:$0x81] =	vst.msk $0xffff, v48  }
0x14: {  	s18 =	sadd.s32 s24, s18;
	v1 =	vcombine.high v1, v5;
	v55 =	vcombine.high v4, v0;
	[tilespmem:s23+$0x0 ss:$0x81] =	vst.msk $0xffff, v50  }
0x15: {  	[tilespmem:s18+$0x1830 ss:$0x81] =	vst.msk $0xffff, v52;
	v11 =	vperm.xlane.i2c.b16 v11;
	v53 =	vperm.xlane.i2c.b16 v45  }
0x16: {  	[tilespmem:s23+$0x3060 ss:$0x81] =	vst.msk $0xffff, v3;
	v54 =	vperm.xlane.i2c.b16 v47;
	v57 =	vperm.xlane.i2c.b16 v49  }
0x17: {  	[tilespmem:s18+$0x3870 ss:$0x81] =	vst.msk $0xffff, v1;
	v60 =	vperm.xlane.i2c.b16 v51;
	v56 =	vcombine.low v11, v53  }
0x18: {  	s25 =	sshll.u32 s14, $0x3;
	[tilespmem:s23+$0x2040 ss:$0x81] =	vst.msk $0xffff, v55;
	v61 =	vcombine.low v54, v57  }
0x19: {  	s26 =	sshll.u32 s14, $0x1;
	s16 =	smul.u32 $0x24000, s16;
	s17 =	sshll.u32 s17, $0xE;
	v63 =	vcombine.low v60, v58;
	[tilespmem:s18+$0x810 ss:$0x81] =	vst.msk $0xffff, v56  }
0x1a: {  	s15 =	sshll.u32 s15, $0xA;
	s27 =	sshrl.u32 s14, $0x3;
	s17 =	sadd.s32 s6, s17;
	v59 =	vcombine.high v11, v53;
	[tilespmem:s18+$0x1020 ss:$0x81] =	vst.msk $0xffff, v61  }
0x1b: {  	s20 =	sand.u32 $0x3C00, s25;
	s21 =	sand.u32 $0x80, s26;
	s16 =	sadd.s32 s16, s17;
	v62 =	vcombine.high v54, v57;
	[tilespmem:s18+$0x0 ss:$0x81] =	vst.msk $0xffff, v63  }
0x1c: {  	s29 =	sand.u32 $0x7, s27;
	s28 =	sor.u32 s21, s20;
	s15 =	sadd.s32 s15, s16;
	v0 =	vcombine.high v60, v58;
	[tilespmem:s18+$0x2850 ss:$0x81] =	vst.msk $0xffff, v59  }
0x1d: {  	s30 =	sshrl.u32 s28, $0x4;
	s15 =	sadd.s32 s29, s15;
	[tilespmem:s18+$0x3060 ss:$0x81] =	vst.msk $0xffff, v62  }
0x1e: {  	s31 =	sand.u32 $0x7, s14;
	s15 =	sadd.s32 s30, s15;
	[tilespmem:s18+$0x2040 ss:$0x81] =	vst.msk $0xffff, v0  }
0x1f: {  	[hbm4b:s15+s31] =	stream.linear.scatter [tilespmem:s19], [sflag:$0x2], $0x4000, $0x20;
	[tilespmem:$0x10100] =	vst v63  }
.LBB1_5:
0x20: {  	s18 =	sadd.s32 $0x8, s9  }
0x21: {  	s14 =	sadd.s32 $0x80, s10;
	s19 =	smov.u32 s10;
	p2 =	sgt.s32 s18, $0xF  }
0x22: {  	s19 =	smov.u32 @p2 s14  }
0x23: {  	s20 =	smov.u32 s11;
	s14 =	sadd.s32 $0x8, s11;
	p3 =	sgt.s32 s19, $0x7F  }
0x24: {  	s20 =	smov.u32 @p3 s14  }
0x25: {  	s14 =	simm.s32 $0x1;
	p4 =	sgt.s32 s20, $0x7  }
0x26: {  	s14 =	simm.s32 @!p4 $0x0  }
0x27: {  	p1 =	slt.u32 s13, $0x2;
	s22 =	sadd.s32 s14, s12  }
0x28: {  	s15 =	smov.u32 s9;
	s18 =	smov.u32 @p2 s2;
	p2 =	sgt.s32 s22, $0x8  }
0x29: {  	s21 =	simm.s32 @!p1 $0x2;
	s22 =	simm.s32 @p2 $0x0;
	p2 =	sne.s32 s13, s8  }
.Ltmp1:
0x2a: {  	s16 =	smov.u32 s11;
	_ =	swait.ge @!p1 [sflag:s21], $0x4000;
	(pc) =	sbr.rel @!p2 .LBB1_6-.Ltmp1, $4  }
0x2b: {  	s17 =	smov.u32 s12;
	p0 =	por !p0, !p0;
	[sflag:s21] =	ssyncset.done @!p1 $0x0  }
0x2c: {  	s9 =	smov.u32 s18;
	s19 =	simm.s32 @p3 $0x0;
	[sflag:s21] =	ssyncadd.s32 @!p1 $0xFFFFC000  }
0x2d: {  	s20 =	smov.u32 @p4 s7;
	s14 =	smov.u32 s10;
	s10 =	smov.u32 s19  }
0x2e: {  	s11 =	smov.u32 s20;
	s13 =	sadd.s32 $0x1, s13;
	s12 =	smov.u32 s22  }
.LBB1_1:
0x2f: {  	p1 =	sge.u32 s13, s5  }
0x30: {  	s31 =	sadd.s32 $0xFFFFFFFF, s13;
	s18 =	sshll.u32 @!p1 s12, $0x11;
	s19 =	sshll.u32 @!p1 s11, $0xE  }
0x31: {  	s20 =	sshll.u32 @!p1 s10, $0x7;
	s21 =	sshll.u32 @!p1 s9, $0x3;
	s18 =	sadd.s32 @!p1 s3, s18  }
0x32: {  	s21 =	sand.u32 @!p1 $0x70, s21;
	s18 =	sadd.s32 @!p1 s19, s18;
	s19 =	sxor.u32 @!p1 $0xFFFFFFFF, s13  }
0x33: {  	s18 =	sadd.s32 @!p1 s20, s18;
	s19 =	sshll.u32 @!p1 s19, $0xE;
	s20 =	simm.s32 @!p1 $0x80  }
0x34: {  	s18 =	sadd.s32 @!p1 s21, s18;
	s19 =	sand.u32 @!p1 $0x4000, s19;
	s21 =	simm.s32 @!p1 $0x400  }
0x35: {  	[tilespmem:s19], [sflag:$0x1] =	stream.strided.gather @!p1 [hbm4b:s18+s20], $0x4000, s21, s20, $0x38;
	[tilespmem:$0x10100] =	vst v63  }
0x36: {  	p1 =	sge.u32 s31, s5  }
.Ltmp2:
0x37: {  	_ = 	snop;
	(pc) =	sbr.rel @p1 .LBB1_5-.Ltmp2, $1  }
0x38: {  	_ =	sdelay $0x3  }
0x39: {  	s18 =	simm.s32 $0x1  }
0x3a: {  	_ =	swait.ge [sflag:s4], $0x4000;
	s18 =	simm.s32 @!p0 $0x0  }
0x3b: {  	[sflag:s4] =	ssyncset.done $0x0;
	s19 =	sshll.u32 s18, $0xE  }
0x3c: {  	[sflag:s4] =	ssyncadd.s32 $0xFFFFC000;
	s19 =	sor.u32 $0x40, s19  }
0x3d: {  	v0 =	vld [tilespmem:s19+$0x20]  }
0x3e: {  	v1 =	vld [tilespmem:s19+$0x30]  }
0x3f: {  	v2 =	vld [tilespmem:s19+$0xFFFFFFD0]  }
0x40: {  	v3 =	vld [tilespmem:s19+$0xFFFFFFE0]  }
0x41: {  	v4 =	vld [tilespmem:s19+$0xFFFFFFF0]  }
0x42: {  	v5 =	vld [tilespmem:s19+$0x0]  }
0x43: {  	v6 =	vld [tilespmem:s19+$0x10]  }
0x44: {  	v7 =	vld [tilespmem:s19+$0xFFFFFFC0]  }
0x45: {  	s18 =	smul.u32 $0x10200, s18;
	v1 =	vperm.xlane.i2c.b16 v1;
	v0 =	vperm.xlane.i2c.b16 v0  }
0x46: {  	s19 =	sadd.s32 $0x80, s19;
	v10 =	vperm.xlane.i2c.b16 v2;
	v3 =	vperm.xlane.i2c.b16 v3  }
0x47: {  	s18 =	sshrl.u32 s18, $0x2;
	v9 =	vld [tilespmem:s19+$0x30];
	v4 =	vperm.xlane.i2c.b16 v4;
	v5 =	vperm.xlane.i2c.b16 v5  }
0x48: {  	s18 =	sor.u32 $0x8000, s18;
	v2 =	vld [tilespmem:s19+$0x20];
	v6 =	vperm.xlane.i2c.b16 v6;
	v8 =	vcombine.low v0, v1  }
0x49: {  	v12 =	vld [tilespmem:s19+$0xFFFFFFF0];
	s20 =	sadd.s32 $0x0, s18;
	v13 =	vperm.xlane.i2c.b16 v7;
	v11 =	vcombine.low v3, v4  }
0x4a: {  	v0 =	vcombine.high v0, v1;
	v1 =	vld [tilespmem:s19+$0xFFFFFFD0];
	v7 =	vcombine.low v5, v6;
	[tilespmem:s20+$0x1830 ss:$0x81] =	vst.msk $0xffff, v8  }
0x4b: {  	v8 =	vld [tilespmem:s19+$0xFFFFFFE0];
	[tilespmem:s20+$0x810 ss:$0x81] =	vst.msk $0xffff, v11  }
0x4c: {  	v14 =	vld [tilespmem:s19+$0x0];
	v9 =	vperm.xlane.i2c.b16 v9;
	v5 =	vcombine.high v5, v6;
	[tilespmem:s20+$0x1020 ss:$0x81] =	vst.msk $0xffff, v7  }
0x4d: {  	s21 =	sand.u32 $0x1, s13;
	[tilespmem:s20+$0x3870 ss:$0x81] =	vst.msk $0xffff, v0;
	v0 =	vcombine.high v3, v4;
	v3 =	vld [tilespmem:s19+$0x10];
	v2 =	vperm.xlane.i2c.b16 v2  }
0x4e: {  	s22 =	smul.u32 $0x10200, s21;
	s21 =	sadd.s32 $0x80, s19;
	v11 =	vcombine.low v13, v10;
	v7 =	vperm.xlane.i2c.b16 v12;
	v4 =	vld [tilespmem:s19+$0xFFFFFFC0];
	[tilespmem:s20+$0x3060 ss:$0x81] =	vst.msk $0xffff, v5  }
0x4f: {  	v5 =	vld [tilespmem:s21+$0x30];
	[tilespmem:s20+$0x2850 ss:$0x81] =	vst.msk $0xffff, v0;
	v0 =	vperm.xlane.i2c.b16 v1;
	v15 =	vcombine.low v2, v9  }
0x50: {  	s31 =	sshrl.u32 s22, $0x2;
	s23 =	sadd.s32 $0x1, s18;
	[tilespmem:s20+$0x0 ss:$0x81] =	vst.msk $0xffff, v11;
	v1 =	vld [tilespmem:s21+$0x20];
	v9 =	vcombine.high v2, v9;
	v6 =	vperm.xlane.i2c.b16 v8  }
0x51: {  	s24 =	simm.s32 $0xC;
	s22 =	simm.s32 $0x8;
	v10 =	vcombine.high v13, v10;
	s19 =	sor.u32 $0x8000, s31;
	v2 =	vld [tilespmem:s21+$0xFFFFFFD0];
	v8 =	vperm.xlane.i2c.b16 v14;
	[tilespmem:s23+$0x1830 ss:$0x81] =	vst.msk $0xffff, v15  }
.LBB1_3:
0x52: {  	p1 =	sne.s32 s24, $0x1FC;
	v11 =	vld [tilespmem:s21+$0xFFFFFFE0];
	v12 =	vcombine.low v6, v7;
	v3 =	vperm.xlane.i2c.b16 v3;
	[tilespmem:s23+$0x3870 ss:$0x81] =	vst.msk $0xffff, v9  }
0x53: {  	v13 =	vperm.xlane.i2c.b16 v4;
	v4 =	vcombine.high v6, v7;
	v9 =	vld [tilespmem:s21+$0xFFFFFFF0];
	[tilespmem:s20+$0x2040 ss:$0x81] =	vst.msk $0xffff, v10;
	s20 =	smov.u32 s23  }
0x54: {  	v10 =	vld [tilespmem:s21+$0x0];
	[tilespmem:s20+$0x810 ss:$0x81] =	vst.msk $0xffff, v12;
	v6 =	vcombine.low v8, v3;
	v7 =	vcombine.high v8, v3  }
.Ltmp3:
0x55: {  	v8 =	vperm.xlane.i2c.b16 v5;
	v12 =	vperm.xlane.i2c.b16 v1;
	v3 =	vld [tilespmem:s21+$0x10];
	[tilespmem:s20+$0x2850 ss:$0x81] =	vst.msk $0xffff, v4;
	(pc) =	sbr.rel @p1 .LBB1_3-.Ltmp3, $4  }
0x56: {  	v14 =	vperm.xlane.i2c.b16 v2;
	v2 =	vcombine.low v13, v0;
	v4 =	vld [tilespmem:s21+$0xFFFFFFC0];
	s21 =	sadd.s32 $0x80, s21;
	[tilespmem:s20+$0x1020 ss:$0x81] =	vst.msk $0xffff, v6  }
0x57: {  	s23 =	sshra.s32 s22, $0x2;
	s22 =	smov.u32 s24;
	v1 =	vld [tilespmem:s21+$0x20];
	v6 =	vperm.xlane.i2c.b16 v11;
	v11 =	vcombine.low v12, v8;
	[tilespmem:s20+$0x3060 ss:$0x81] =	vst.msk $0xffff, v7  }
0x58: {  	s23 =	sadd.s32 s23, s18;
	v5 =	vld [tilespmem:s21+$0x30];
	v7 =	vperm.xlane.i2c.b16 v9;
	v9 =	vcombine.high v12, v8;
	[tilespmem:s20+$0x0 ss:$0x81] =	vst.msk $0xffff, v2  }
0x59: {  	s24 =	sadd.s32 $0x4, s24;
	v2 =	vld [tilespmem:s21+$0xFFFFFFD0];
	v8 =	vperm.xlane.i2c.b16 v10;
	[tilespmem:s23+$0x1830 ss:$0x81] =	vst.msk $0xffff, v11;
	v10 =	vcombine.high v13, v0;
	v0 =	vmov v14  }
.Ltmp4:
0x5a: {  	_ = 	snop;
	(pc) =	sbr.rel .LBB1_4-.Ltmp4, $1  }
0x5b: {  	_ =	sdelay $0x3  }
.LBB1_6:
0x5c: {  	_ =	sfence.sel $0x180000  }
0x5d: {  	s2 =	simm.s32 $0x1;
	[bflag:$0x0] =	sbarrier.arrive $0xFFFF  }
0x5e: {  	s31 =	simm.s32 $0x2;
	[sflag:s2] =	ssyncpa.u1 $0x1  }
0x5f: {  	[sflag:s31] =	ssyncpa.u1 $0x1  }
0x60: {  	p0 =	sne.s32 s0, $0x0;
	_ =	strace $0x90000047  }
0x61: {  	s0 =	sadd.s32 @!p0 $0x100000, s1;
	[bflag:$0x2] =	sbarrier.arrive $0xFFFF  }
0x62: {  	[sflag:s0] =	ssyncadd.tile.s32 @!p0 $0x1;
	_ =	shalt  }
.Lfunc_end1:
_tile_overlayer_lowered:
.L_overlay_start_2:
0x63: {  	(tag) =	ssettag $0x2  }
0x64: {  	s0 =	rddreg [dreg:$0x0];
	s2 =	stileid.u32  }
0x65: {  	s1 =	rddreg [dreg:$0x1];
	p0 =	sne.s32 s2, $0x0  }
0x66: {  	s3 =	rddreg [dreg:$0x2];
	[bflag:$0x3] =	sbarrier.arrive $0xFFFF;
	s2 =	simm.s32 @!p0 $0x1C01  }
0x67: {  	[timem:s3], [sflag:s2] =	dma.local @!p0 [hbm:s0], s1  }
0x68: {  	s0 =	simm.s32 @!p0 $0x1  }
0x69: {  	_ =	swait.ge @!p0 [sflag:s0], s1  }
0x6a: {  	s1 =	ssub.s32 @!p0 $0x0, s1;
	[sflag:s0] =	ssyncset.done @!p0 $0x0  }
0x6b: {  	[sflag:s0] =	ssyncadd.s32 @!p0 s1  }
0x6c: {  	[bflag:$0x3] =	sbarrier.arrive $0xFFFF  }
0x6d: {  	_ =	shalt  }

</sc_bundles>
